<compile_context>
chip_gen: v7x
topology: tpu7x:2x2x1
jax: 0.10.2.dev20260603
libtpu: 0.0.44.dev20260713+nightly
codegen_flags: <defaults>
</compile_context>

<pallas_src>
import functools

import jax
import jax.numpy as jnp
from jax import lax
from jax.experimental import pallas as pl
from jax.experimental.pallas import tpu as pltpu
from jax.experimental.pallas import tpu_sc as plsc

_NEG = float("-inf")
_BIGI = 2 ** 30


def _l2n(x):
    return x / jnp.maximum(jnp.sqrt(jnp.sum(x * x, axis=-1, keepdims=True)), 1e-12)


def _dot(a, b, precision=None):
    return jnp.dot(a, b, preferred_element_type=jnp.float32,
                   precision=precision)



def _embed_body(nc, d, ci_ref, col_ref, pos_ref, tab_ref, wc1_ref, bc1_ref,
                wc2_ref, bc2_ref, wp1_ref, bp1_ref, wp2_ref, bp2_ref,
                wm_ref, bm_ref, emb_ref, embt_ref, sqr_ref, sqc_ref):
    rb = ci_ref.shape[0]
    iota = lax.broadcasted_iota(jnp.int32, (rb, nc), 1)
    oh = (iota == ci_ref[...]).astype(jnp.float32)
    ce = _l2n(_dot(oh, tab_ref[...], precision=lax.Precision.HIGHEST))
    col = _l2n(_dot(jnp.maximum(_dot(col_ref[...], wc1_ref[...]) + bc1_ref[...], 0.0),
                    wc2_ref[...]) + bc2_ref[...])
    pos = _l2n(_dot(jnp.maximum(_dot(pos_ref[...], wp1_ref[...]) + bp1_ref[...], 0.0),
                    wp2_ref[...]) + bp2_ref[...])
    emb = _dot(jnp.concatenate([ce, col, pos], axis=1), wm_ref[...]) + bm_ref[...]
    emb_ref[...] = emb
    embt_ref[...] = emb.T
    sq = jnp.sum(emb * emb, axis=1, keepdims=True)
    sqr_ref[...] = sq
    sqc_ref[...] = sq.T



def _top2_block(v, idxg):
    m1 = jnp.max(v, axis=1, keepdims=True)
    i1 = jnp.min(jnp.where(v == m1, idxg, _BIGI), axis=1, keepdims=True)
    v2 = jnp.where(idxg == i1, _NEG, v)
    m2 = jnp.max(v2, axis=1, keepdims=True)
    i2 = jnp.min(jnp.where((v2 == m2) & (idxg != i1), idxg, _BIGI),
                 axis=1, keepdims=True)
    return m1, i1, m2, i2


def _pick(va, ia, vb, ib):
    take_b = vb > va
    return jnp.where(take_b, vb, va), jnp.where(take_b, ib, ia)


def _knn_body(cb, ncb, er_ref, sqr_ref, br_ref, embt_ref, sqc_ref, bc_ref,
              i1_ref, i2_ref):
    rb = er_ref.shape[0]
    er = er_ref[...]
    sqr = sqr_ref[...]
    br = br_ref[...]
    rmin = br_ref[0, 0]
    rmax = br_ref[rb - 1, 0]

    carry = (jnp.full((rb, 1), _NEG, jnp.float32), jnp.zeros((rb, 1), jnp.int32),
             jnp.full((rb, 1), _NEG, jnp.float32), jnp.zeros((rb, 1), jnp.int32))

    for i in range(ncb):
        c0 = i * cb
        cmin = bc_ref[0, c0]
        cmax = bc_ref[0, c0 + cb - 1]
        overlap = jnp.logical_and(cmin <= rmax, cmax >= rmin)

        def _update(carry, c0=c0):
            b1, j1, b2, j2 = carry
            ec = embt_ref[:, c0:c0 + cb]
            d = sqr + sqc_ref[:, c0:c0 + cb] - 2.0 * _dot(er, ec)
            same = br == bc_ref[:, c0:c0 + cb]
            v = jnp.where(same, -d, _NEG)
            idxg = c0 + lax.broadcasted_iota(jnp.int32, (rb, cb), 1)
            m1, i1, m2, i2 = _top2_block(v, idxg)
            nb, nbi = _pick(b1, j1, m1, i1)
            blk_wins = m1 > b1
            sa = jnp.where(blk_wins, b1, b2)
            sai = jnp.where(blk_wins, j1, j2)
            sb = jnp.where(blk_wins, m2, m1)
            sbi = jnp.where(blk_wins, i2, i1)
            ns, nsi = _pick(sa, sai, sb, sbi)
            return nb, nbi, ns, nsi

        carry = lax.cond(overlap, _update, lambda c: c, carry)

    _, j1, _, j2 = carry
    i1_ref[...] = j1
    i2_ref[...] = j2



def _sc_gather(emb, idx_flat, d):
    nw = 32
    ng = idx_flat.shape[0]
    b_per_w = ng // nw
    mesh = plsc.VectorSubcoreMesh(core_axis_name="c", subcore_axis_name="s")

    @functools.partial(
        pl.kernel, mesh=mesh,
        out_type=jax.ShapeDtypeStruct((ng, d), jnp.float32),
        scratch_types=[
            pltpu.VMEM((b_per_w,), jnp.int32),
            pltpu.VMEM((b_per_w, d), jnp.float32),
            pltpu.SemaphoreType.DMA,
        ],
    )
    def k(table_hbm, idx_hbm, out_hbm, idx_v, rows_v, sem):
        wid = lax.axis_index("s") * 2 + lax.axis_index("c")
        base = wid * b_per_w
        pltpu.sync_copy(idx_hbm.at[pl.ds(base, b_per_w)], idx_v)
        pltpu.async_copy(table_hbm.at[idx_v], rows_v, sem).wait()
        pltpu.sync_copy(rows_v, out_hbm.at[pl.ds(base, b_per_w)])

    return k(emb, idx_flat)



def _edge_body(nseg, d, nblocks, xi_ref, xj1_ref, xj2_ref, br_ref, we1_ref,
               be1_ref, bng_ref, bnb_ref, bnm_ref, bnv_ref, we2_ref, be2_ref,
               wl1_ref, bl1_ref, wl2_ref, bl2_ref, out_ref, acc_ref):
    pid = pl.program_id(0)

    @pl.when(pid == 0)
    def _init():
        acc_ref[...] = jnp.full((nseg, d), _NEG, jnp.float32)

    xi = xi_ref[...]
    t = _dot(xi, we1_ref[0:d, :]) + be1_ref[...]
    wb = we1_ref[d:2 * d, :]
    inv = 1.0 / jnp.sqrt(bnv_ref[...] + 1e-5)

    def edge(xj):
        h = jnp.maximum(t + _dot(xj - xi, wb), 0.0)
        h = (h - bnm_ref[...]) * inv * bng_ref[...] + bnb_ref[...]
        return _dot(h, we2_ref[...]) + be2_ref[...]

    node = jnp.maximum(edge(xj1_ref[...]), edge(xj2_ref[...]))

    br = br_ref[...]
    for b in range(nseg):
        vals = jnp.where(br == b, node, _NEG)
        pmax = jnp.max(vals, axis=0, keepdims=True)
        acc_ref[b:b + 1, :] = jnp.maximum(acc_ref[b:b + 1, :], pmax)

    @pl.when(pid == nblocks - 1)
    def _final():
        pooled = acc_ref[...]
        o = _dot(jnp.maximum(_dot(pooled, wl1_ref[...]) + bl1_ref[...], 0.0),
                 wl2_ref[...]) + bl2_ref[...]
        out_ref[...] = _l2n(o)



def kernel(class_indices, colors, positions, batch, class_table, Wp1, bp1,
           Wp2, bp2, Wc1, bc1, Wc2, bc2, Wm, bm, We1, be1, bn_g, bn_b, bn_m,
           bn_v, We2, be2, Wl1, bl1, Wl2, bl2):
    n = class_indices.shape[0]
    nc, d = class_table.shape
    nseg = 16

    npad = ((n + 2047) // 2048) * 2048
    rb = 512
    cb = 1024
    ncb = npad // cb
    nblocks = npad // rb
    pad = npad - n

    ci = jnp.pad(class_indices.astype(jnp.int32), (0, pad)).reshape(npad, 1)
    col = jnp.pad(colors, ((0, pad), (0, 0)))
    pos = jnp.pad(positions, ((0, pad), (0, 0)))
    bat = jnp.pad(batch.astype(jnp.int32), (0, pad), constant_values=nseg)
    br_col = bat.reshape(npad, 1)
    bc_row = bat.reshape(1, npad)

    def row(x):
        return x.reshape(1, -1)

    full = lambda shape: pl.BlockSpec(shape, lambda i: (0, 0))
    rows = lambda w: pl.BlockSpec((rb, w), lambda i: (i, 0))

    cols = lambda w: pl.BlockSpec((w, rb), lambda i: (0, i))

    emb, embt, sq, sqc = pl.pallas_call(
        functools.partial(_embed_body, nc, d),
        grid=(nblocks,),
        in_specs=[rows(1), rows(3), rows(3), full((nc, d)),
                  full((3, 32)), full((1, 32)), full((32, d)), full((1, d)),
                  full((3, 32)), full((1, 32)), full((32, d)), full((1, d)),
                  full((3 * d, d)), full((1, d))],
        out_specs=[rows(d), cols(d), rows(1), cols(1)],
        out_shape=[jax.ShapeDtypeStruct((npad, d), jnp.float32),
                   jax.ShapeDtypeStruct((d, npad), jnp.float32),
                   jax.ShapeDtypeStruct((npad, 1), jnp.float32),
                   jax.ShapeDtypeStruct((1, npad), jnp.float32)],
    )(ci, col, pos, class_table, Wc1, row(bc1), Wc2, row(bc2),
      Wp1, row(bp1), Wp2, row(bp2), Wm, row(bm))

    i1, i2 = pl.pallas_call(
        functools.partial(_knn_body, cb, ncb),
        grid=(nblocks,),
        in_specs=[rows(d), rows(1), rows(1),
                  full((d, npad)), full((1, npad)), full((1, npad))],
        out_specs=[rows(1), rows(1)],
        out_shape=[jax.ShapeDtypeStruct((npad, 1), jnp.int32),
                   jax.ShapeDtypeStruct((npad, 1), jnp.int32)],
    )(emb, sq, br_col, embt, sqc, bc_row)

    idx_flat = jnp.concatenate([i1[:, 0], i2[:, 0]])
    xj = _sc_gather(emb, idx_flat, d)

    out = pl.pallas_call(
        functools.partial(_edge_body, nseg, d, nblocks),
        grid=(nblocks,),
        in_specs=[rows(d),
                  pl.BlockSpec((rb, d), lambda i: (i, 0)),
                  pl.BlockSpec((rb, d), lambda i, nb=nblocks: (i + nb, 0)),
                  rows(1),
                  full((2 * d, d)), full((1, d)), full((1, d)), full((1, d)),
                  full((1, d)), full((1, d)), full((d, d)), full((1, d)),
                  full((d, d)), full((1, d)), full((d, d)), full((1, d))],
        out_specs=pl.BlockSpec((nseg, d), lambda i: (0, 0)),
        out_shape=jax.ShapeDtypeStruct((nseg, d), jnp.float32),
        scratch_shapes=[pltpu.VMEM((nseg, d), jnp.float32)],
    )(emb, xj, xj, br_col, We1, row(be1), row(bn_g), row(bn_b), row(bn_m),
      row(bn_v), We2, row(be2), Wl1, row(bl1), Wl2, row(bl2))

    return out

# --- scband reference (transcript-rebuilt; emitter-appended) ---
"""Pipeline reference for scband-cell-retrieval-network-71408126263863 (READ-ONLY COPY).

The authoritative reference and input builder live on the scoring server;
editing this copy changes nothing except your own understanding.
"""

import jax, jax.numpy as jnp
import numpy as np

N = 10000
D = 128
NC = 33
B = 16
K = 2


def _l2n(x):
    return x / jnp.maximum(jnp.linalg.norm(x, axis=-1, keepdims=True), 1e-12)


def _knn(x, batch, k):
    # kNN graph construction is non-differentiable (indices only), like torch_cluster.knn
    xs = jax.lax.stop_gradient(x)
    bt = jax.lax.stop_gradient(batch)
    sq = jnp.sum(xs * xs, axis=1)
    n = xs.shape[0]
    blk = 1000
    idxs = []
    for s in range(0, n, blk):
        xb = xs[s:s + blk]
        d = sq[s:s + blk, None] + sq[None, :] - 2.0 * (xb @ xs.T)
        d = jnp.where(bt[s:s + blk, None] != bt[None, :], jnp.inf, d)
        _, idx = jax.lax.top_k(-d, k)
        idxs.append(idx)
    return jnp.concatenate(idxs, axis=0)  # [N, k]


def setup_inputs(seed: int = 0):
    key = jax.random.key(seed)
    ks = jax.random.split(key, 32)

    def w(k_, shape, fan):
        return (jax.random.normal(k_, shape) / np.sqrt(fan)).astype(jnp.float32)

    inp = {}
    inp["class_indices"] = jax.random.randint(ks[0], (N,), 0, NC)
    inp["colors"] = jax.random.uniform(ks[1], (N, 3), dtype=jnp.float32)
    inp["positions"] = jax.random.normal(ks[2], (N, 3), dtype=jnp.float32)
    inp["batch"] = jnp.sort(jax.random.randint(ks[3], (N,), 0, B))
    ct = jax.random.normal(ks[4], (NC, D)).astype(jnp.float32)
    inp["class_table"] = ct.at[0].set(0.0)  # padding_idx=0
    inp["Wp1"] = w(ks[5], (3, 32), 3); inp["bp1"] = jnp.zeros((32,), jnp.float32)
    inp["Wp2"] = w(ks[6], (32, D), 32); inp["bp2"] = jnp.zeros((D,), jnp.float32)
    inp["Wc1"] = w(ks[7], (3, 32), 3); inp["bc1"] = jnp.zeros((32,), jnp.float32)
    inp["Wc2"] = w(ks[8], (32, D), 32); inp["bc2"] = jnp.zeros((D,), jnp.float32)
    inp["Wm"] = w(ks[9], (3 * D, D), 3 * D); inp["bm"] = jnp.zeros((D,), jnp.float32)
    inp["We1"] = w(ks[10], (2 * D, D), 2 * D); inp["be1"] = jnp.zeros((D,), jnp.float32)
    inp["bn_g"] = jnp.ones((D,), jnp.float32); inp["bn_b"] = jnp.zeros((D,), jnp.float32)
    inp["bn_m"] = jnp.zeros((D,), jnp.float32); inp["bn_v"] = jnp.ones((D,), jnp.float32)
    inp["We2"] = w(ks[11], (D, D), D); inp["be2"] = jnp.zeros((D,), jnp.float32)
    inp["Wl1"] = w(ks[12], (D, D), D); inp["bl1"] = jnp.zeros((D,), jnp.float32)
    inp["Wl2"] = w(ks[13], (D, D), D); inp["bl2"] = jnp.zeros((D,), jnp.float32)
    return inp


def reference(class_indices, colors, positions, batch, class_table, Wp1, bp1, Wp2, bp2,
              Wc1, bc1, Wc2, bc2, Wm, bm, We1, be1, bn_g, bn_b, bn_m, bn_v,
              We2, be2, Wl1, bl1, Wl2, bl2):
    # feature embeddings (order: class, color, position)
    ce = _l2n(jnp.take(class_table, class_indices, axis=0))
    col = _l2n(jax.nn.relu(colors @ Wc1 + bc1) @ Wc2 + bc2)
    pos = _l2n(jax.nn.relu(positions @ Wp1 + bp1) @ Wp2 + bp2)
    emb = jnp.concatenate([ce, col, pos], axis=-1) @ Wm + bm
    # DynamicEdgeConv(get_mlp([2D, D, D], add_batchnorm=True), k=2, aggr='max')
    idx = _knn(emb, batch, K)
    x_i = jnp.broadcast_to(emb[:, None, :], (emb.shape[0], K, emb.shape[1]))
    x_j = emb[idx]
    feat = jnp.concatenate([x_i, x_j - x_i], axis=-1)
    h = jax.nn.relu(feat @ We1 + be1)
    h = (h - bn_m) / jnp.sqrt(bn_v + 1e-5) * bn_g + bn_b  # BatchNorm1d (eval stats)
    h = h @ We2 + be2
    node = jnp.max(h, axis=1)  # max aggregation over k neighbors
    pooled = jax.ops.segment_max(node, batch, num_segments=B)  # global_max_pool
    out = jax.nn.relu(pooled @ Wl1 + bl1) @ Wl2 + bl2  # self.lin
    return _l2n(out)

if __name__ == "__main__":
    import jax
    _d = setup_inputs()
    print(jax.jit(kernel)(*tuple(_d.values())))

</pallas_src>

<mosaic_0001>
#map = affine_map<(d0, d1) -> (0, 0)>
#map1 = affine_map<(d0, d1) -> (0)>
module attributes {stable_mosaic.version = 14 : i64} {
  func.func @k(%arg0: i32, %arg1: i32, %arg2: memref<10240x128xf32, #tpu.memory_space<hbm>>, %arg3: memref<20480xi32, #tpu.memory_space<hbm>>, %arg4: memref<20480x128xf32, #tpu.memory_space<hbm>>, %arg5: memref<640xi32, #tpu.memory_space<vmem>>, %arg6: memref<640x128xf32, #tpu.memory_space<vmem>>, %arg7: memref<!tpu.dma_semaphore, #tpu.memory_space<semaphore_mem>>) attributes {dimension_semantics = [#tpu.dimension_semantics<core_parallel>, #tpu.dimension_semantics<subcore_parallel>], iteration_bounds = array<i64: 2, 16>, scalar_prefetch = 0 : i64, scratch_operands = 3 : i64, tpu.core_type = #tpu.core_type<sc_vector_subcore>, window_params = [{transform_indices = #map}, {transform_indices = #map1}, {transform_indices = #map}]} {
    %mul3A = arith.constant 2 : i32
    %mul3A_0 = arith.muli %arg1, %mul3A : i32
    %add3A = arith.addi %mul3A_0, %arg0 : i32
    %mul3A_1 = arith.constant 640 : i32
    %mul3A_2 = arith.muli %add3A, %mul3A_1 : i32
    "tpu.region"() ({
      %run_scoped3A = tpu.sem_alloc : memref<!tpu.dma_semaphore, #tpu.memory_space<semaphore_mem>>
      %dma_start3A_7 = tpu.memref_slice %arg3[%mul3A_2] : memref<20480xi32, #tpu.memory_space<hbm>> -> memref<640xi32, #tpu.memory_space<hbm>>
      %dma_start3A_8 = tpu.memref_slice %arg3[%mul3A_2] : memref<20480xi32, #tpu.memory_space<hbm>> -> memref<640xi32, #tpu.memory_space<hbm>>
      tpu.enqueue_dma source(%dma_start3A_8 : memref<640xi32, #tpu.memory_space<hbm>>) target(%arg5 : memref<640xi32, #tpu.memory_space<vmem>>) target_semaphore(%run_scoped3A : memref<!tpu.dma_semaphore, #tpu.memory_space<semaphore_mem>>)
      %dma_wait3A_9 = tpu.memref_slice %arg3[%mul3A_2] : memref<20480xi32, #tpu.memory_space<hbm>> -> memref<640xi32, #tpu.memory_space<hbm>>
      %dma_wait3A_10 = tpu.memref_slice %arg3[%mul3A_2] : memref<20480xi32, #tpu.memory_space<hbm>> -> memref<640xi32, #tpu.memory_space<hbm>>
      tpu.wait_dma2 semaphore(%run_scoped3A : memref<!tpu.dma_semaphore, #tpu.memory_space<semaphore_mem>>) src(%dma_wait3A_10 : memref<640xi32, #tpu.memory_space<hbm>>) dst(%arg5 : memref<640xi32, #tpu.memory_space<vmem>>)
      tpu.yield
    }) : () -> ()
    %dma_start3A = arith.constant 0 : i32
    %dma_start3A_3 = arith.constant 0 : i32
    %dma_start3A_4 = tpu.memref_slice %arg2[%dma_start3A, %dma_start3A_3] : memref<10240x128xf32, #tpu.memory_space<hbm>> -> memref<10240x128xf32, #tpu.memory_space<hbm>>
    tpu.enqueue_indirect_dma source(%dma_start3A_4 : memref<10240x128xf32, #tpu.memory_space<hbm>>) target(%arg6 : memref<640x128xf32, #tpu.memory_space<vmem>>) offsets(%arg5 : memref<640xi32, #tpu.memory_space<vmem>>) semaphore(%arg7 : memref<!tpu.dma_semaphore, #tpu.memory_space<semaphore_mem>>)
    %dma_wait3A = arith.constant 0 : i32
    %dma_wait3A_5 = arith.constant 0 : i32
    %dma_wait3A_6 = tpu.memref_slice %arg2[%dma_wait3A, %dma_wait3A_5] : memref<10240x128xf32, #tpu.memory_space<hbm>> -> memref<10240x128xf32, #tpu.memory_space<hbm>>
    tpu.wait_indirect_dma semaphore(%arg7 : memref<!tpu.dma_semaphore, #tpu.memory_space<semaphore_mem>>) src(%dma_wait3A_6 : memref<10240x128xf32, #tpu.memory_space<hbm>>) dst(%arg6 : memref<640x128xf32, #tpu.memory_space<vmem>>)
    "tpu.region"() ({
      %run_scoped3A = tpu.sem_alloc : memref<!tpu.dma_semaphore, #tpu.memory_space<semaphore_mem>>
      %dma_start3A_7 = arith.constant 0 : i32
      %dma_start3A_8 = tpu.memref_slice %arg4[%mul3A_2, %dma_start3A_7] : memref<20480x128xf32, #tpu.memory_space<hbm>> -> memref<640x128xf32, #tpu.memory_space<hbm>>
      %dma_start3A_9 = arith.constant 0 : i32
      %dma_start3A_10 = tpu.memref_slice %arg4[%mul3A_2, %dma_start3A_9] : memref<20480x128xf32, #tpu.memory_space<hbm>> -> memref<640x128xf32, #tpu.memory_space<hbm>>
      tpu.enqueue_dma source(%arg6 : memref<640x128xf32, #tpu.memory_space<vmem>>) target(%dma_start3A_10 : memref<640x128xf32, #tpu.memory_space<hbm>>) target_semaphore(%run_scoped3A : memref<!tpu.dma_semaphore, #tpu.memory_space<semaphore_mem>>)
      %dma_wait3A_11 = arith.constant 0 : i32
      %dma_wait3A_12 = tpu.memref_slice %arg4[%mul3A_2, %dma_wait3A_11] : memref<20480x128xf32, #tpu.memory_space<hbm>> -> memref<640x128xf32, #tpu.memory_space<hbm>>
      %dma_wait3A_13 = arith.constant 0 : i32
      %dma_wait3A_14 = tpu.memref_slice %arg4[%mul3A_2, %dma_wait3A_13] : memref<20480x128xf32, #tpu.memory_space<hbm>> -> memref<640x128xf32, #tpu.memory_space<hbm>>
      tpu.wait_dma2 semaphore(%run_scoped3A : memref<!tpu.dma_semaphore, #tpu.memory_space<semaphore_mem>>) src(%arg6 : memref<640x128xf32, #tpu.memory_space<vmem>>) dst(%dma_wait3A_14 : memref<640x128xf32, #tpu.memory_space<hbm>>)
      tpu.yield
    }) : () -> ()
    return
  }
}

module attributes {stable_mosaic.version = 14 : i64} {
  func.func @_embed_body(%arg0: i32, %arg1: memref<512x1xi32, #tpu.memory_space<vmem>>, %arg2: memref<512x3xf32, #tpu.memory_space<vmem>>, %arg3: memref<512x3xf32, #tpu.memory_space<vmem>>, %arg4: memref<33x128xf32, #tpu.memory_space<vmem>>, %arg5: memref<3x32xf32, #tpu.memory_space<vmem>>, %arg6: memref<1x32xf32, #tpu.memory_space<vmem>>, %arg7: memref<32x128xf32, #tpu.memory_space<vmem>>, %arg8: memref<1x128xf32, #tpu.memory_space<vmem>>, %arg9: memref<3x32xf32, #tpu.memory_space<vmem>>, %arg10: memref<1x32xf32, #tpu.memory_space<vmem>>, %arg11: memref<32x128xf32, #tpu.memory_space<vmem>>, %arg12: memref<1x128xf32, #tpu.memory_space<vmem>>, %arg13: memref<384x128xf32, #tpu.memory_space<vmem>>, %arg14: memref<1x128xf32, #tpu.memory_space<vmem>>, %arg15: memref<512x128xf32, #tpu.memory_space<vmem>>, %arg16: memref<128x512xf32, #tpu.memory_space<vmem>>, %arg17: memref<512x1xf32, #tpu.memory_space<vmem>>, %arg18: memref<1x512xf32, #tpu.memory_space<vmem>>) attributes {dimension_semantics = [#tpu.dimension_semantics<arbitrary>], iteration_bounds = array<i64: 20>, scalar_prefetch = 0 : i64, scratch_operands = 0 : i64, tpu.core_type = #tpu.core_type<tc>, window_params = [{transform_indices = @transform_0, window_bounds = array<i64: 512, 1>}, {transform_indices = @transform_1, window_bounds = array<i64: 512, 3>}, {transform_indices = @transform_2, window_bounds = array<i64: 512, 3>}, {pipeline_mode = #tpu.pipeline_mode<synchronous>, transform_indices = @transform_3, window_bounds = array<i64: 33, 128>}, {pipeline_mode = #tpu.pipeline_mode<synchronous>, transform_indices = @transform_4, window_bounds = array<i64: 3, 32>}, {pipeline_mode = #tpu.pipeline_mode<synchronous>, transform_indices = @transform_5, window_bounds = array<i64: 1, 32>}, {pipeline_mode = #tpu.pipeline_mode<synchronous>, transform_indices = @transform_6, window_bounds = array<i64: 32, 128>}, {pipeline_mode = #tpu.pipeline_mode<synchronous>, transform_indices = @transform_7, window_bounds = array<i64: 1, 128>}, {pipeline_mode = #tpu.pipeline_mode<synchronous>, transform_indices = @transform_8, window_bounds = array<i64: 3, 32>}, {pipeline_mode = #tpu.pipeline_mode<synchronous>, transform_indices = @transform_9, window_bounds = array<i64: 1, 32>}, {pipeline_mode = #tpu.pipeline_mode<synchronous>, transform_indices = @transform_10, window_bounds = array<i64: 32, 128>}, {pipeline_mode = #tpu.pipeline_mode<synchronous>, transform_indices = @transform_11, window_bounds = array<i64: 1, 128>}, {pipeline_mode = #tpu.pipeline_mode<synchronous>, transform_indices = @transform_12, window_bounds = array<i64: 384, 128>}, {pipeline_mode = #tpu.pipeline_mode<synchronous>, transform_indices = @transform_13, window_bounds = array<i64: 1, 128>}, {transform_indices = @transform_14, window_bounds = array<i64: 512, 128>}, {transform_indices = @transform_15, window_bounds = array<i64: 128, 512>}, {transform_indices = @transform_16, window_bounds = array<i64: 512, 1>}, {transform_indices = @transform_17, window_bounds = array<i64: 1, 512>}]} {
    %iota3A = tpu.iota {dimensions = array<i32: 1>} : vector<512x33xi32>
    %get3A = arith.constant 0 : index
    %get3A_0 = arith.constant 0 : index
    %get3A_1 = vector.load %arg1[%get3A, %get3A_0] : memref<512x1xi32, #tpu.memory_space<vmem>>, vector<512x1xi32>
    %eq3A = vector.broadcast %get3A_1 : vector<512x1xi32> to vector<512x33xi32>
    %eq3A_2 = arith.cmpi eq, %iota3A, %eq3A : vector<512x33xi32>
    %convert_element_type3A = arith.extui %eq3A_2 : vector<512x33xi1> to vector<512x33xi32>
    %convert_element_type3A_3 = arith.sitofp %convert_element_type3A : vector<512x33xi32> to vector<512x33xf32>
    %get3A_4 = arith.constant 0 : index
    %get3A_5 = arith.constant 0 : index
    %get3A_6 = vector.load %arg4[%get3A_4, %get3A_5] : memref<33x128xf32, #tpu.memory_space<vmem>>, vector<33x128xf32>
    %dot_general3A = arith.constant dense<0.000000e+00> : vector<512x128xf32>
    %dot_general3A_7 = tpu.matmul %convert_element_type3A_3, %get3A_6, %dot_general3A {dimension_numbers = #tpu.dot_dimension_numbers<[1], [0], [0], [1], [0, 0, 1, 1], [], []>, precision = #tpu.contract_precision<fp32>, transpose_lhs_hint = false} : vector<512x33xf32>, vector<33x128xf32>, vector<512x128xf32> -> vector<512x128xf32>
    %mul3A = arith.mulf %dot_general3A_7, %dot_general3A_7 : vector<512x128xf32>
    %reduce_sum3A = arith.constant dense<0.000000e+00> : vector<512xf32>
    %reduce_sum3A_8 = vector.multi_reduction <add>, %mul3A, %reduce_sum3A [1] : vector<512x128xf32> to vector<512xf32>
    %broadcast_in_dim3A = vector.shape_cast %reduce_sum3A_8 : vector<512xf32> to vector<512x1xf32>
    %sqrt3A = math.sqrt %broadcast_in_dim3A : vector<512x1xf32>
    %max3A = arith.constant 9.99999996E-13 : f32
    %max3A_9 = vector.broadcast %max3A : f32 to vector<512x1xf32>
    %max3A_10 = arith.maximumf %sqrt3A, %max3A_9 : vector<512x1xf32>
    %div3A = vector.broadcast %max3A_10 : vector<512x1xf32> to vector<512x128xf32>
    %div3A_11 = arith.divf %dot_general3A_7, %div3A : vector<512x128xf32>
    %get3A_12 = arith.constant 0 : index
    %get3A_13 = arith.constant 0 : index
    %get3A_14 = vector.load %arg2[%get3A_12, %get3A_13] : memref<512x3xf32, #tpu.memory_space<vmem>>, vector<512x3xf32>
    %get3A_15 = arith.constant 0 : index
    %get3A_16 = arith.constant 0 : index
    %get3A_17 = vector.load %arg5[%get3A_15, %get3A_16] : memref<3x32xf32, #tpu.memory_space<vmem>>, vector<3x32xf32>
    %dot_general3A_18 = arith.constant dense<0.000000e+00> : vector<512x32xf32>
    %dot_general3A_19 = tpu.matmul %get3A_14, %get3A_17, %dot_general3A_18 {dimension_numbers = #tpu.dot_dimension_numbers<[1], [0], [0], [1], [0, 0, 1, 1], [], []>, transpose_lhs_hint = false} : vector<512x3xf32>, vector<3x32xf32>, vector<512x32xf32> -> vector<512x32xf32>
    %get3A_20 = arith.constant 0 : index
    %get3A_21 = arith.constant 0 : index
    %get3A_22 = vector.load %arg6[%get3A_20, %get3A_21] : memref<1x32xf32, #tpu.memory_space<vmem>>, vector<1x32xf32>
    %add3A = vector.broadcast %get3A_22 : vector<1x32xf32> to vector<512x32xf32>
    %add3A_23 = arith.addf %dot_general3A_19, %add3A : vector<512x32xf32>
    %max3A_24 = arith.constant 0.000000e+00 : f32
    %max3A_25 = vector.broadcast %max3A_24 : f32 to vector<512x32xf32>
    %max3A_26 = arith.maximumf %add3A_23, %max3A_25 : vector<512x32xf32>
    %get3A_27 = arith.constant 0 : index
    %get3A_28 = arith.constant 0 : index
    %get3A_29 = vector.load %arg7[%get3A_27, %get3A_28] : memref<32x128xf32, #tpu.memory_space<vmem>>, vector<32x128xf32>
    %dot_general3A_30 = arith.constant dense<0.000000e+00> : vector<512x128xf32>
    %dot_general3A_31 = tpu.matmul %max3A_26, %get3A_29, %dot_general3A_30 {dimension_numbers = #tpu.dot_dimension_numbers<[1], [0], [0], [1], [0, 0, 1, 1], [], []>, transpose_lhs_hint = false} : vector<512x32xf32>, vector<32x128xf32>, vector<512x128xf32> -> vector<512x128xf32>
    %get3A_32 = arith.constant 0 : index
    %get3A_33 = arith.constant 0 : index
    %get3A_34 = vector.load %arg8[%get3A_32, %get3A_33] : memref<1x128xf32, #tpu.memory_space<vmem>>, vector<1x128xf32>
    %add3A_35 = vector.broadcast %get3A_34 : vector<1x128xf32> to vector<512x128xf32>
    %add3A_36 = arith.addf %dot_general3A_31, %add3A_35 : vector<512x128xf32>
    %mul3A_37 = arith.mulf %add3A_36, %add3A_36 : vector<512x128xf32>
    %reduce_sum3A_38 = arith.constant dense<0.000000e+00> : vector<512xf32>
    %reduce_sum3A_39 = vector.multi_reduction <add>, %mul3A_37, %reduce_sum3A_38 [1] : vector<512x128xf32> to vector<512xf32>
    %broadcast_in_dim3A_40 = vector.shape_cast %reduce_sum3A_39 : vector<512xf32> to vector<512x1xf32>
    %sqrt3A_41 = math.sqrt %broadcast_in_dim3A_40 : vector<512x1xf32>
    %max3A_42 = arith.constant 9.99999996E-13 : f32
    %max3A_43 = vector.broadcast %max3A_42 : f32 to vector<512x1xf32>
    %max3A_44 = arith.maximumf %sqrt3A_41, %max3A_43 : vector<512x1xf32>
    %div3A_45 = vector.broadcast %max3A_44 : vector<512x1xf32> to vector<512x128xf32>
    %div3A_46 = arith.divf %add3A_36, %div3A_45 : vector<512x128xf32>
    %get3A_47 = arith.constant 0 : index
    %get3A_48 = arith.constant 0 : index
    %get3A_49 = vector.load %arg3[%get3A_47, %get3A_48] : memref<512x3xf32, #tpu.memory_space<vmem>>, vector<512x3xf32>
    %get3A_50 = arith.constant 0 : index
    %get3A_51 = arith.constant 0 : index
    %get3A_52 = vector.load %arg9[%get3A_50, %get3A_51] : memref<3x32xf32, #tpu.memory_space<vmem>>, vector<3x32xf32>
    %dot_general3A_53 = arith.constant dense<0.000000e+00> : vector<512x32xf32>
    %dot_general3A_54 = tpu.matmul %get3A_49, %get3A_52, %dot_general3A_53 {dimension_numbers = #tpu.dot_dimension_numbers<[1], [0], [0], [1], [0, 0, 1, 1], [], []>, transpose_lhs_hint = false} : vector<512x3xf32>, vector<3x32xf32>, vector<512x32xf32> -> vector<512x32xf32>
    %get3A_55 = arith.constant 0 : index
    %get3A_56 = arith.constant 0 : index
    %get3A_57 = vector.load %arg10[%get3A_55, %get3A_56] : memref<1x32xf32, #tpu.memory_space<vmem>>, vector<1x32xf32>
    %add3A_58 = vector.broadcast %get3A_57 : vector<1x32xf32> to vector<512x32xf32>
    %add3A_59 = arith.addf %dot_general3A_54, %add3A_58 : vector<512x32xf32>
    %max3A_60 = arith.constant 0.000000e+00 : f32
    %max3A_61 = vector.broadcast %max3A_60 : f32 to vector<512x32xf32>
    %max3A_62 = arith.maximumf %add3A_59, %max3A_61 : vector<512x32xf32>
    %get3A_63 = arith.constant 0 : index
    %get3A_64 = arith.constant 0 : index
    %get3A_65 = vector.load %arg11[%get3A_63, %get3A_64] : memref<32x128xf32, #tpu.memory_space<vmem>>, vector<32x128xf32>
    %dot_general3A_66 = arith.constant dense<0.000000e+00> : vector<512x128xf32>
    %dot_general3A_67 = tpu.matmul %max3A_62, %get3A_65, %dot_general3A_66 {dimension_numbers = #tpu.dot_dimension_numbers<[1], [0], [0], [1], [0, 0, 1, 1], [], []>, transpose_lhs_hint = false} : vector<512x32xf32>, vector<32x128xf32>, vector<512x128xf32> -> vector<512x128xf32>
    %get3A_68 = arith.constant 0 : index
    %get3A_69 = arith.constant 0 : index
    %get3A_70 = vector.load %arg12[%get3A_68, %get3A_69] : memref<1x128xf32, #tpu.memory_space<vmem>>, vector<1x128xf32>
    %add3A_71 = vector.broadcast %get3A_70 : vector<1x128xf32> to vector<512x128xf32>
    %add3A_72 = arith.addf %dot_general3A_67, %add3A_71 : vector<512x128xf32>
    %mul3A_73 = arith.mulf %add3A_72, %add3A_72 : vector<512x128xf32>
    %reduce_sum3A_74 = arith.constant dense<0.000000e+00> : vector<512xf32>
    %reduce_sum3A_75 = vector.multi_reduction <add>, %mul3A_73, %reduce_sum3A_74 [1] : vector<512x128xf32> to vector<512xf32>
    %broadcast_in_dim3A_76 = vector.shape_cast %reduce_sum3A_75 : vector<512xf32> to vector<512x1xf32>
    %sqrt3A_77 = math.sqrt %broadcast_in_dim3A_76 : vector<512x1xf32>
    %max3A_78 = arith.constant 9.99999996E-13 : f32
    %max3A_79 = vector.broadcast %max3A_78 : f32 to vector<512x1xf32>
    %max3A_80 = arith.maximumf %sqrt3A_77, %max3A_79 : vector<512x1xf32>
    %div3A_81 = vector.broadcast %max3A_80 : vector<512x1xf32> to vector<512x128xf32>
    %div3A_82 = arith.divf %add3A_72, %div3A_81 : vector<512x128xf32>
    %concatenate3A = tpu.concatenate %div3A_11, %div3A_46, %div3A_82 in 1 : vector<512x128xf32>, vector<512x128xf32>, vector<512x128xf32> -> vector<512x384xf32>
    %get3A_83 = arith.constant 0 : index
    %get3A_84 = arith.constant 0 : index
    %get3A_85 = vector.load %arg13[%get3A_83, %get3A_84] : memref<384x128xf32, #tpu.memory_space<vmem>>, vector<384x128xf32>
    %dot_general3A_86 = arith.constant dense<0.000000e+00> : vector<512x128xf32>
    %dot_general3A_87 = tpu.matmul %concatenate3A, %get3A_85, %dot_general3A_86 {dimension_numbers = #tpu.dot_dimension_numbers<[1], [0], [0], [1], [0, 0, 1, 1], [], []>, transpose_lhs_hint = false} : vector<512x384xf32>, vector<384x128xf32>, vector<512x128xf32> -> vector<512x128xf32>
    %get3A_88 = arith.constant 0 : index
    %get3A_89 = arith.constant 0 : index
    %get3A_90 = vector.load %arg14[%get3A_88, %get3A_89] : memref<1x128xf32, #tpu.memory_space<vmem>>, vector<1x128xf32>
    %add3A_91 = vector.broadcast %get3A_90 : vector<1x128xf32> to vector<512x128xf32>
    %add3A_92 = arith.addf %dot_general3A_87, %add3A_91 : vector<512x128xf32>
    %swap3A = arith.constant 0 : index
    %swap3A_93 = arith.constant 0 : index
    %swap3A_94 = vector.load %arg15[%swap3A, %swap3A_93] : memref<512x128xf32, #tpu.memory_space<vmem>>, vector<512x128xf32>
    tpu.vector_store %arg15[%swap3A, %swap3A_93], %add3A_92 {strides = array<i32>} : memref<512x128xf32, #tpu.memory_space<vmem>>, vector<512x128xf32>,
    %transpose3A = tpu.transpose %add3A_92, [1, 0] : vector<512x128xf32> -> vector<128x512xf32>
    %swap3A_95 = arith.constant 0 : index
    %swap3A_96 = arith.constant 0 : index
    %swap3A_97 = vector.load %arg16[%swap3A_95, %swap3A_96] : memref<128x512xf32, #tpu.memory_space<vmem>>, vector<128x512xf32>
    tpu.vector_store %arg16[%swap3A_95, %swap3A_96], %transpose3A {strides = array<i32>} : memref<128x512xf32, #tpu.memory_space<vmem>>, vector<128x512xf32>,
    %mul3A_98 = arith.mulf %add3A_92, %add3A_92 : vector<512x128xf32>
    %reduce_sum3A_99 = arith.constant dense<0.000000e+00> : vector<512xf32>
    %reduce_sum3A_100 = vector.multi_reduction <add>, %mul3A_98, %reduce_sum3A_99 [1] : vector<512x128xf32> to vector<512xf32>
    %broadcast_in_dim3A_101 = vector.shape_cast %reduce_sum3A_100 : vector<512xf32> to vector<512x1xf32>
    %swap3A_102 = arith.constant 0 : index
    %swap3A_103 = arith.constant 0 : index
    %swap3A_104 = vector.load %arg17[%swap3A_102, %swap3A_103] : memref<512x1xf32, #tpu.memory_space<vmem>>, vector<512x1xf32>
    tpu.vector_store %arg17[%swap3A_102, %swap3A_103], %broadcast_in_dim3A_101 {strides = array<i32>} : memref<512x1xf32, #tpu.memory_space<vmem>>, vector<512x1xf32>,
    %transpose3A_105 = tpu.transpose %broadcast_in_dim3A_101, [1, 0] : vector<512x1xf32> -> vector<1x512xf32>
    %swap3A_106 = arith.constant 0 : index
    %swap3A_107 = arith.constant 0 : index
    %swap3A_108 = vector.load %arg18[%swap3A_106, %swap3A_107] : memref<1x512xf32, #tpu.memory_space<vmem>>, vector<1x512xf32>
    tpu.vector_store %arg18[%swap3A_106, %swap3A_107], %transpose3A_105 {strides = array<i32>} : memref<1x512xf32, #tpu.memory_space<vmem>>, vector<1x512xf32>,
    return
  }
  func.func @transform_0(%arg0: i32) -> (i32, i32) {
    %c0_i32 = arith.constant 0 : i32
    %c0_i32_0 = arith.constant 0 : i32
    return %arg0, %c0_i32 : i32, i32
  }
  func.func @transform_1(%arg0: i32) -> (i32, i32) {
    %c0_i32 = arith.constant 0 : i32
    %c0_i32_0 = arith.constant 0 : i32
    return %arg0, %c0_i32 : i32, i32
  }
  func.func @transform_2(%arg0: i32) -> (i32, i32) {
    %c0_i32 = arith.constant 0 : i32
    %c0_i32_0 = arith.constant 0 : i32
    return %arg0, %c0_i32 : i32, i32
  }
  func.func @transform_3(%arg0: i32) -> (i32, i32) {
    %c0_i32 = arith.constant 0 : i32
    %c0_i32_0 = arith.constant 0 : i32
    %c0_i32_1 = arith.constant 0 : i32
    return %c0_i32, %c0_i32_0 : i32, i32
  }
  func.func @transform_4(%arg0: i32) -> (i32, i32) {
    %c0_i32 = arith.constant 0 : i32
    %c0_i32_0 = arith.constant 0 : i32
    %c0_i32_1 = arith.constant 0 : i32
    return %c0_i32, %c0_i32_0 : i32, i32
  }
  func.func @transform_5(%arg0: i32) -> (i32, i32) {
    %c0_i32 = arith.constant 0 : i32
    %c0_i32_0 = arith.constant 0 : i32
    %c0_i32_1 = arith.constant 0 : i32
    return %c0_i32, %c0_i32_0 : i32, i32
  }
  func.func @transform_6(%arg0: i32) -> (i32, i32) {
    %c0_i32 = arith.constant 0 : i32
    %c0_i32_0 = arith.constant 0 : i32
    %c0_i32_1 = arith.constant 0 : i32
    return %c0_i32, %c0_i32_0 : i32, i32
  }
  func.func @transform_7(%arg0: i32) -> (i32, i32) {
    %c0_i32 = arith.constant 0 : i32
    %c0_i32_0 = arith.constant 0 : i32
    %c0_i32_1 = arith.constant 0 : i32
    return %c0_i32, %c0_i32_0 : i32, i32
  }
  func.func @transform_8(%arg0: i32) -> (i32, i32) {
    %c0_i32 = arith.constant 0 : i32
    %c0_i32_0 = arith.constant 0 : i32
    %c0_i32_1 = arith.constant 0 : i32
    return %c0_i32, %c0_i32_0 : i32, i32
  }
  func.func @transform_9(%arg0: i32) -> (i32, i32) {
    %c0_i32 = arith.constant 0 : i32
    %c0_i32_0 = arith.constant 0 : i32
    %c0_i32_1 = arith.constant 0 : i32
    return %c0_i32, %c0_i32_0 : i32, i32
  }
  func.func @transform_10(%arg0: i32) -> (i32, i32) {
    %c0_i32 = arith.constant 0 : i32
    %c0_i32_0 = arith.constant 0 : i32
    %c0_i32_1 = arith.constant 0 : i32
    return %c0_i32, %c0_i32_0 : i32, i32
  }
  func.func @transform_11(%arg0: i32) -> (i32, i32) {
    %c0_i32 = arith.constant 0 : i32
    %c0_i32_0 = arith.constant 0 : i32
    %c0_i32_1 = arith.constant 0 : i32
    return %c0_i32, %c0_i32_0 : i32, i32
  }
  func.func @transform_12(%arg0: i32) -> (i32, i32) {
    %c0_i32 = arith.constant 0 : i32
    %c0_i32_0 = arith.constant 0 : i32
    %c0_i32_1 = arith.constant 0 : i32
    return %c0_i32, %c0_i32_0 : i32, i32
  }
  func.func @transform_13(%arg0: i32) -> (i32, i32) {
    %c0_i32 = arith.constant 0 : i32
    %c0_i32_0 = arith.constant 0 : i32
    %c0_i32_1 = arith.constant 0 : i32
    return %c0_i32, %c0_i32_0 : i32, i32
  }
  func.func @transform_14(%arg0: i32) -> (i32, i32) {
    %c0_i32 = arith.constant 0 : i32
    %c0_i32_0 = arith.constant 0 : i32
    return %arg0, %c0_i32 : i32, i32
  }
  func.func @transform_15(%arg0: i32) -> (i32, i32) {
    %c0_i32 = arith.constant 0 : i32
    %c0_i32_0 = arith.constant 0 : i32
    return %c0_i32, %arg0 : i32, i32
  }
  func.func @transform_16(%arg0: i32) -> (i32, i32) {
    %c0_i32 = arith.constant 0 : i32
    %c0_i32_0 = arith.constant 0 : i32
    return %arg0, %c0_i32 : i32, i32
  }
  func.func @transform_17(%arg0: i32) -> (i32, i32) {
    %c0_i32 = arith.constant 0 : i32
    %c0_i32_0 = arith.constant 0 : i32
    return %c0_i32, %arg0 : i32, i32
  }
}

module attributes {stable_mosaic.version = 14 : i64} {
  func.func @_knn_body(%arg0: i32, %arg1: memref<512x128xf32, #tpu.memory_space<vmem>>, %arg2: memref<512x1xf32, #tpu.memory_space<vmem>>, %arg3: memref<512x1xi32, #tpu.memory_space<vmem>>, %arg4: memref<128x10240xf32, #tpu.memory_space<vmem>>, %arg5: memref<1x10240xf32, #tpu.memory_space<vmem>>, %arg6: memref<1x10240xi32, #tpu.memory_space<vmem>>, %arg7: memref<512x1xi32, #tpu.memory_space<vmem>>, %arg8: memref<512x1xi32, #tpu.memory_space<vmem>>) attributes {dimension_semantics = [#tpu.dimension_semantics<arbitrary>], iteration_bounds = array<i64: 20>, scalar_prefetch = 0 : i64, scratch_operands = 0 : i64, tpu.core_type = #tpu.core_type<tc>, window_params = [{transform_indices = @transform_0, window_bounds = array<i64: 512, 128>}, {transform_indices = @transform_1, window_bounds = array<i64: 512, 1>}, {transform_indices = @transform_2, window_bounds = array<i64: 512, 1>}, {pipeline_mode = #tpu.pipeline_mode<synchronous>, transform_indices = @transform_3, window_bounds = array<i64: 128, 10240>}, {pipeline_mode = #tpu.pipeline_mode<synchronous>, transform_indices = @transform_4, window_bounds = array<i64: 1, 10240>}, {pipeline_mode = #tpu.pipeline_mode<synchronous>, transform_indices = @transform_5, window_bounds = array<i64: 1, 10240>}, {transform_indices = @transform_6, window_bounds = array<i64: 512, 1>}, {transform_indices = @transform_7, window_bounds = array<i64: 512, 1>}]} {
    %get3A = arith.constant 0 : index
    %get3A_0 = arith.constant 0 : index
    %get3A_1 = vector.load %arg1[%get3A, %get3A_0] : memref<512x128xf32, #tpu.memory_space<vmem>>, vector<512x128xf32>
    %get3A_2 = arith.constant 0 : index
    %get3A_3 = arith.constant 0 : index
    %get3A_4 = vector.load %arg2[%get3A_2, %get3A_3] : memref<512x1xf32, #tpu.memory_space<vmem>>, vector<512x1xf32>
    %get3A_5 = arith.constant 0 : index
    %get3A_6 = arith.constant 0 : index
    %get3A_7 = vector.load %arg3[%get3A_5, %get3A_6] : memref<512x1xi32, #tpu.memory_space<vmem>>, vector<512x1xi32>
    %get3A_8 = arith.constant 0 : index
    %get3A_9 = arith.constant 0 : index
    %get3A_10 = vector.load %arg3[%get3A_8, %get3A_9] : memref<512x1xi32, #tpu.memory_space<vmem>>, vector<1x1xi32>
    %get3A_11 = vector.extract %get3A_10[0, 0] : i32 from vector<1x1xi32>
    %get3A_12 = arith.constant 511 : index
    %get3A_13 = arith.constant 0 : index
    %get3A_14 = vector.load %arg3[%get3A_12, %get3A_13] : memref<512x1xi32, #tpu.memory_space<vmem>>, vector<1x1xi32>
    %get3A_15 = vector.extract %get3A_14[0, 0] : i32 from vector<1x1xi32>
    %broadcast_in_dim3A = arith.constant 0xFF800000 : f32
    %broadcast_in_dim3A_16 = vector.broadcast %broadcast_in_dim3A : f32 to vector<512x1xf32>
    %broadcast_in_dim3A_17 = arith.constant 0 : i32
    %broadcast_in_dim3A_18 = vector.broadcast %broadcast_in_dim3A_17 : i32 to vector<512x1xi32>
    %broadcast_in_dim3A_19 = arith.constant 0xFF800000 : f32
    %broadcast_in_dim3A_20 = vector.broadcast %broadcast_in_dim3A_19 : f32 to vector<512x1xf32>
    %broadcast_in_dim3A_21 = arith.constant 0 : i32
    %broadcast_in_dim3A_22 = vector.broadcast %broadcast_in_dim3A_21 : i32 to vector<512x1xi32>
    %get3A_23 = arith.constant 0 : index
    %get3A_24 = arith.constant 0 : index
    %get3A_25 = vector.load %arg6[%get3A_23, %get3A_24] : memref<1x10240xi32, #tpu.memory_space<vmem>>, vector<1x1xi32>
    %get3A_26 = vector.extract %get3A_25[0, 0] : i32 from vector<1x1xi32>
    %get3A_27 = arith.constant 0 : index
    %get3A_28 = arith.constant 1023 : index
    %get3A_29 = vector.load %arg6[%get3A_27, %get3A_28] : memref<1x10240xi32, #tpu.memory_space<vmem>>, vector<1x1xi32>
    %get3A_30 = vector.extract %get3A_29[0, 0] : i32 from vector<1x1xi32>
    %le3A = arith.cmpi sle, %get3A_26, %get3A_15 : i32
    %ge3A = arith.cmpi sge, %get3A_30, %get3A_11 : i32
    %and3A = arith.andi %le3A, %ge3A : i1
    %convert_element_type3A = arith.extui %and3A : i1 to i32
    %cond3A = arith.constant 0 : i32
    %cond3A_31 = arith.cmpi ne, %convert_element_type3A, %cond3A : i32
    %cond3A_32:4 = scf.if %cond3A_31 -> (vector<512x1xf32>, vector<512x1xi32>, vector<512x1xf32>, vector<512x1xi32>) {
      %get3A_173 = arith.constant 0 : index
      %get3A_174 = arith.constant 0 : index
      %get3A_175 = vector.load %arg4[%get3A_173, %get3A_174] : memref<128x10240xf32, #tpu.memory_space<vmem>>, vector<128x1024xf32>
      %get3A_176 = arith.constant 0 : index
      %get3A_177 = arith.constant 0 : index
      %get3A_178 = vector.load %arg5[%get3A_176, %get3A_177] : memref<1x10240xf32, #tpu.memory_space<vmem>>, vector<1x1024xf32>
      %add3A = vector.broadcast %get3A_4 : vector<512x1xf32> to vector<512x1024xf32>
      %add3A_179 = vector.broadcast %get3A_178 : vector<1x1024xf32> to vector<512x1024xf32>
      %add3A_180 = arith.addf %add3A, %add3A_179 : vector<512x1024xf32>
      %dot_general3A = arith.constant dense<0.000000e+00> : vector<512x1024xf32>
      %dot_general3A_181 = tpu.matmul %get3A_1, %get3A_175, %dot_general3A {dimension_numbers = #tpu.dot_dimension_numbers<[1], [0], [0], [1], [0, 0, 1, 1], [], []>, transpose_lhs_hint = false} : vector<512x128xf32>, vector<128x1024xf32>, vector<512x1024xf32> -> vector<512x1024xf32>
      %mul3A = arith.constant 2.000000e+00 : f32
      %mul3A_182 = vector.broadcast %mul3A : f32 to vector<512x1024xf32>
      %mul3A_183 = arith.mulf %mul3A_182, %dot_general3A_181 : vector<512x1024xf32>
      %sub3A = arith.subf %add3A_180, %mul3A_183 : vector<512x1024xf32>
      %get3A_184 = arith.constant 0 : index
      %get3A_185 = arith.constant 0 : index
      %get3A_186 = vector.load %arg6[%get3A_184, %get3A_185] : memref<1x10240xi32, #tpu.memory_space<vmem>>, vector<1x1024xi32>
      %eq3A = vector.broadcast %get3A_7 : vector<512x1xi32> to vector<512x1024xi32>
      %eq3A_187 = vector.broadcast %get3A_186 : vector<1x1024xi32> to vector<512x1024xi32>
      %eq3A_188 = arith.cmpi eq, %eq3A, %eq3A_187 : vector<512x1024xi32>
      %neg3A = arith.constant 0.000000e+00 : f32
      %neg3A_189 = vector.broadcast %neg3A : f32 to vector<512x1024xf32>
      %neg3A_190 = arith.subf %neg3A_189, %sub3A : vector<512x1024xf32>
      %jit3A = arith.constant 0xFF800000 : f32
      %broadcast_in_dim3A_191 = vector.broadcast %jit3A : f32 to vector<512x1024xf32>
      %select_n3A = arith.select %eq3A_188, %neg3A_190, %broadcast_in_dim3A_191 : vector<512x1024xi1>, vector<512x1024xf32>
      %iota3A = tpu.iota {dimensions = array<i32: 1>} : vector<512x1024xi32>
      %add3A_192 = arith.constant 0 : i32
      %add3A_193 = vector.broadcast %add3A_192 : i32 to vector<512x1024xi32>
      %add3A_194 = arith.addi %add3A_193, %iota3A : vector<512x1024xi32>
      %reduce_max3A = arith.constant dense<0xFF800000> : vector<512xf32>
      %reduce_max3A_195 = vector.multi_reduction <maximumf>, %select_n3A, %reduce_max3A [1] : vector<512x1024xf32> to vector<512xf32>
      %broadcast_in_dim3A_196 = vector.shape_cast %reduce_max3A_195 : vector<512xf32> to vector<512x1xf32>
      %eq3A_197 = vector.broadcast %broadcast_in_dim3A_196 : vector<512x1xf32> to vector<512x1024xf32>
      %eq3A_198 = arith.cmpf oeq, %select_n3A, %eq3A_197 : vector<512x1024xf32>
      %jit3A_199 = arith.constant 1073741824 : i32
      %broadcast_in_dim3A_200 = vector.broadcast %jit3A_199 : i32 to vector<512x1024xi32>
      %select_n3A_201 = arith.select %eq3A_198, %add3A_194, %broadcast_in_dim3A_200 : vector<512x1024xi1>, vector<512x1024xi32>
      %reduce_min3A = arith.constant dense<2147483647> : vector<512xi32>
      %reduce_min3A_202 = vector.multi_reduction <minsi>, %select_n3A_201, %reduce_min3A [1] : vector<512x1024xi32> to vector<512xi32>
      %broadcast_in_dim3A_203 = vector.shape_cast %reduce_min3A_202 : vector<512xi32> to vector<512x1xi32>
      %eq3A_204 = vector.broadcast %broadcast_in_dim3A_203 : vector<512x1xi32> to vector<512x1024xi32>
      %eq3A_205 = arith.cmpi eq, %add3A_194, %eq3A_204 : vector<512x1024xi32>
      %jit3A_206 = arith.constant 0xFF800000 : f32
      %broadcast_in_dim3A_207 = vector.broadcast %jit3A_206 : f32 to vector<512x1024xf32>
      %select_n3A_208 = arith.select %eq3A_205, %broadcast_in_dim3A_207, %select_n3A : vector<512x1024xi1>, vector<512x1024xf32>
      %reduce_max3A_209 = arith.constant dense<0xFF800000> : vector<512xf32>
      %reduce_max3A_210 = vector.multi_reduction <maximumf>, %select_n3A_208, %reduce_max3A_209 [1] : vector<512x1024xf32> to vector<512xf32>
      %broadcast_in_dim3A_211 = vector.shape_cast %reduce_max3A_210 : vector<512xf32> to vector<512x1xf32>
      %eq3A_212 = vector.broadcast %broadcast_in_dim3A_211 : vector<512x1xf32> to vector<512x1024xf32>
      %eq3A_213 = arith.cmpf oeq, %select_n3A_208, %eq3A_212 : vector<512x1024xf32>
      %ne3A = vector.broadcast %broadcast_in_dim3A_203 : vector<512x1xi32> to vector<512x1024xi32>
      %ne3A_214 = arith.cmpi ne, %add3A_194, %ne3A : vector<512x1024xi32>
      %and3A_215 = arith.andi %eq3A_213, %ne3A_214 : vector<512x1024xi1>
      %jit3A_216 = arith.constant 1073741824 : i32
      %broadcast_in_dim3A_217 = vector.broadcast %jit3A_216 : i32 to vector<512x1024xi32>
      %select_n3A_218 = arith.select %and3A_215, %add3A_194, %broadcast_in_dim3A_217 : vector<512x1024xi1>, vector<512x1024xi32>
      %reduce_min3A_219 = arith.constant dense<2147483647> : vector<512xi32>
      %reduce_min3A_220 = vector.multi_reduction <minsi>, %select_n3A_218, %reduce_min3A_219 [1] : vector<512x1024xi32> to vector<512xi32>
      %broadcast_in_dim3A_221 = vector.shape_cast %reduce_min3A_220 : vector<512xi32> to vector<512x1xi32>
      %gt3A = arith.cmpf ogt, %broadcast_in_dim3A_196, %broadcast_in_dim3A_16 : vector<512x1xf32>
      %select_n3A_222 = arith.select %gt3A, %broadcast_in_dim3A_196, %broadcast_in_dim3A_16 : vector<512x1xi1>, vector<512x1xf32>
      %select_n3A_223 = arith.select %gt3A, %broadcast_in_dim3A_203, %broadcast_in_dim3A_18 : vector<512x1xi1>, vector<512x1xi32>
      %gt3A_224 = arith.cmpf ogt, %broadcast_in_dim3A_196, %broadcast_in_dim3A_16 : vector<512x1xf32>
      %select_n3A_225 = arith.select %gt3A_224, %broadcast_in_dim3A_16, %broadcast_in_dim3A_20 : vector<512x1xi1>, vector<512x1xf32>
      %select_n3A_226 = arith.select %gt3A_224, %broadcast_in_dim3A_18, %broadcast_in_dim3A_22 : vector<512x1xi1>, vector<512x1xi32>
      %select_n3A_227 = arith.select %gt3A_224, %broadcast_in_dim3A_211, %broadcast_in_dim3A_196 : vector<512x1xi1>, vector<512x1xf32>
      %select_n3A_228 = arith.select %gt3A_224, %broadcast_in_dim3A_221, %broadcast_in_dim3A_203 : vector<512x1xi1>, vector<512x1xi32>
      %gt3A_229 = arith.cmpf ogt, %select_n3A_227, %select_n3A_225 : vector<512x1xf32>
      %select_n3A_230 = arith.select %gt3A_229, %select_n3A_227, %select_n3A_225 : vector<512x1xi1>, vector<512x1xf32>
      %select_n3A_231 = arith.select %gt3A_229, %select_n3A_228, %select_n3A_226 : vector<512x1xi1>, vector<512x1xi32>
      scf.yield %select_n3A_222, %select_n3A_223, %select_n3A_230, %select_n3A_231 : vector<512x1xf32>, vector<512x1xi32>, vector<512x1xf32>, vector<512x1xi32>
    } else {
      scf.yield %broadcast_in_dim3A_16, %broadcast_in_dim3A_18, %broadcast_in_dim3A_20, %broadcast_in_dim3A_22 : vector<512x1xf32>, vector<512x1xi32>, vector<512x1xf32>, vector<512x1xi32>
    }
    %get3A_33 = arith.constant 0 : index
    %get3A_34 = arith.constant 1024 : index
    %get3A_35 = vector.load %arg6[%get3A_33, %get3A_34] : memref<1x10240xi32, #tpu.memory_space<vmem>>, vector<1x1xi32>
    %get3A_36 = vector.extract %get3A_35[0, 0] : i32 from vector<1x1xi32>
    %get3A_37 = arith.constant 0 : index
    %get3A_38 = arith.constant 2047 : index
    %get3A_39 = vector.load %arg6[%get3A_37, %get3A_38] : memref<1x10240xi32, #tpu.memory_space<vmem>>, vector<1x1xi32>
    %get3A_40 = vector.extract %get3A_39[0, 0] : i32 from vector<1x1xi32>
    %le3A_41 = arith.cmpi sle, %get3A_36, %get3A_15 : i32
    %ge3A_42 = arith.cmpi sge, %get3A_40, %get3A_11 : i32
    %and3A_43 = arith.andi %le3A_41, %ge3A_42 : i1
    %convert_element_type3A_44 = arith.extui %and3A_43 : i1 to i32
    %cond3A_45 = arith.constant 0 : i32
    %cond3A_46 = arith.cmpi ne, %convert_element_type3A_44, %cond3A_45 : i32
    %cond3A_47:4 = scf.if %cond3A_46 -> (vector<512x1xf32>, vector<512x1xi32>, vector<512x1xf32>, vector<512x1xi32>) {
      %get3A_173 = arith.constant 0 : index
      %get3A_174 = arith.constant 1024 : index
      %get3A_175 = vector.load %arg4[%get3A_173, %get3A_174] : memref<128x10240xf32, #tpu.memory_space<vmem>>, vector<128x1024xf32>
      %get3A_176 = arith.constant 0 : index
      %get3A_177 = arith.constant 1024 : index
      %get3A_178 = vector.load %arg5[%get3A_176, %get3A_177] : memref<1x10240xf32, #tpu.memory_space<vmem>>, vector<1x1024xf32>
      %add3A = vector.broadcast %get3A_4 : vector<512x1xf32> to vector<512x1024xf32>
      %add3A_179 = vector.broadcast %get3A_178 : vector<1x1024xf32> to vector<512x1024xf32>
      %add3A_180 = arith.addf %add3A, %add3A_179 : vector<512x1024xf32>
      %dot_general3A = arith.constant dense<0.000000e+00> : vector<512x1024xf32>
      %dot_general3A_181 = tpu.matmul %get3A_1, %get3A_175, %dot_general3A {dimension_numbers = #tpu.dot_dimension_numbers<[1], [0], [0], [1], [0, 0, 1, 1], [], []>, transpose_lhs_hint = false} : vector<512x128xf32>, vector<128x1024xf32>, vector<512x1024xf32> -> vector<512x1024xf32>
      %mul3A = arith.constant 2.000000e+00 : f32
      %mul3A_182 = vector.broadcast %mul3A : f32 to vector<512x1024xf32>
      %mul3A_183 = arith.mulf %mul3A_182, %dot_general3A_181 : vector<512x1024xf32>
      %sub3A = arith.subf %add3A_180, %mul3A_183 : vector<512x1024xf32>
      %get3A_184 = arith.constant 0 : index
      %get3A_185 = arith.constant 1024 : index
      %get3A_186 = vector.load %arg6[%get3A_184, %get3A_185] : memref<1x10240xi32, #tpu.memory_space<vmem>>, vector<1x1024xi32>
      %eq3A = vector.broadcast %get3A_7 : vector<512x1xi32> to vector<512x1024xi32>
      %eq3A_187 = vector.broadcast %get3A_186 : vector<1x1024xi32> to vector<512x1024xi32>
      %eq3A_188 = arith.cmpi eq, %eq3A, %eq3A_187 : vector<512x1024xi32>
      %neg3A = arith.constant 0.000000e+00 : f32
      %neg3A_189 = vector.broadcast %neg3A : f32 to vector<512x1024xf32>
      %neg3A_190 = arith.subf %neg3A_189, %sub3A : vector<512x1024xf32>
      %jit3A = arith.constant 0xFF800000 : f32
      %broadcast_in_dim3A_191 = vector.broadcast %jit3A : f32 to vector<512x1024xf32>
      %select_n3A = arith.select %eq3A_188, %neg3A_190, %broadcast_in_dim3A_191 : vector<512x1024xi1>, vector<512x1024xf32>
      %iota3A = tpu.iota {dimensions = array<i32: 1>} : vector<512x1024xi32>
      %add3A_192 = arith.constant 1024 : i32
      %add3A_193 = vector.broadcast %add3A_192 : i32 to vector<512x1024xi32>
      %add3A_194 = arith.addi %add3A_193, %iota3A : vector<512x1024xi32>
      %reduce_max3A = arith.constant dense<0xFF800000> : vector<512xf32>
      %reduce_max3A_195 = vector.multi_reduction <maximumf>, %select_n3A, %reduce_max3A [1] : vector<512x1024xf32> to vector<512xf32>
      %broadcast_in_dim3A_196 = vector.shape_cast %reduce_max3A_195 : vector<512xf32> to vector<512x1xf32>
      %eq3A_197 = vector.broadcast %broadcast_in_dim3A_196 : vector<512x1xf32> to vector<512x1024xf32>
      %eq3A_198 = arith.cmpf oeq, %select_n3A, %eq3A_197 : vector<512x1024xf32>
      %jit3A_199 = arith.constant 1073741824 : i32
      %broadcast_in_dim3A_200 = vector.broadcast %jit3A_199 : i32 to vector<512x1024xi32>
      %select_n3A_201 = arith.select %eq3A_198, %add3A_194, %broadcast_in_dim3A_200 : vector<512x1024xi1>, vector<512x1024xi32>
      %reduce_min3A = arith.constant dense<2147483647> : vector<512xi32>
      %reduce_min3A_202 = vector.multi_reduction <minsi>, %select_n3A_201, %reduce_min3A [1] : vector<512x1024xi32> to vector<512xi32>
      %broadcast_in_dim3A_203 = vector.shape_cast %reduce_min3A_202 : vector<512xi32> to vector<512x1xi32>
      %eq3A_204 = vector.broadcast %broadcast_in_dim3A_203 : vector<512x1xi32> to vector<512x1024xi32>
      %eq3A_205 = arith.cmpi eq, %add3A_194, %eq3A_204 : vector<512x1024xi32>
      %jit3A_206 = arith.constant 0xFF800000 : f32
      %broadcast_in_dim3A_207 = vector.broadcast %jit3A_206 : f32 to vector<512x1024xf32>
      %select_n3A_208 = arith.select %eq3A_205, %broadcast_in_dim3A_207, %select_n3A : vector<512x1024xi1>, vector<512x1024xf32>
      %reduce_max3A_209 = arith.constant dense<0xFF800000> : vector<512xf32>
      %reduce_max3A_210 = vector.multi_reduction <maximumf>, %select_n3A_208, %reduce_max3A_209 [1] : vector<512x1024xf32> to vector<512xf32>
      %broadcast_in_dim3A_211 = vector.shape_cast %reduce_max3A_210 : vector<512xf32> to vector<512x1xf32>
      %eq3A_212 = vector.broadcast %broadcast_in_dim3A_211 : vector<512x1xf32> to vector<512x1024xf32>
      %eq3A_213 = arith.cmpf oeq, %select_n3A_208, %eq3A_212 : vector<512x1024xf32>
      %ne3A = vector.broadcast %broadcast_in_dim3A_203 : vector<512x1xi32> to vector<512x1024xi32>
      %ne3A_214 = arith.cmpi ne, %add3A_194, %ne3A : vector<512x1024xi32>
      %and3A_215 = arith.andi %eq3A_213, %ne3A_214 : vector<512x1024xi1>
      %jit3A_216 = arith.constant 1073741824 : i32
      %broadcast_in_dim3A_217 = vector.broadcast %jit3A_216 : i32 to vector<512x1024xi32>
      %select_n3A_218 = arith.select %and3A_215, %add3A_194, %broadcast_in_dim3A_217 : vector<512x1024xi1>, vector<512x1024xi32>
      %reduce_min3A_219 = arith.constant dense<2147483647> : vector<512xi32>
      %reduce_min3A_220 = vector.multi_reduction <minsi>, %select_n3A_218, %reduce_min3A_219 [1] : vector<512x1024xi32> to vector<512xi32>
      %broadcast_in_dim3A_221 = vector.shape_cast %reduce_min3A_220 : vector<512xi32> to vector<512x1xi32>
      %gt3A = arith.cmpf ogt, %broadcast_in_dim3A_196, %cond3A_32#0 : vector<512x1xf32>
      %select_n3A_222 = arith.select %gt3A, %broadcast_in_dim3A_196, %cond3A_32#0 : vector<512x1xi1>, vector<512x1xf32>
      %select_n3A_223 = arith.select %gt3A, %broadcast_in_dim3A_203, %cond3A_32#1 : vector<512x1xi1>, vector<512x1xi32>
      %gt3A_224 = arith.cmpf ogt, %broadcast_in_dim3A_196, %cond3A_32#0 : vector<512x1xf32>
      %select_n3A_225 = arith.select %gt3A_224, %cond3A_32#0, %cond3A_32#2 : vector<512x1xi1>, vector<512x1xf32>
      %select_n3A_226 = arith.select %gt3A_224, %cond3A_32#1, %cond3A_32#3 : vector<512x1xi1>, vector<512x1xi32>
      %select_n3A_227 = arith.select %gt3A_224, %broadcast_in_dim3A_211, %broadcast_in_dim3A_196 : vector<512x1xi1>, vector<512x1xf32>
      %select_n3A_228 = arith.select %gt3A_224, %broadcast_in_dim3A_221, %broadcast_in_dim3A_203 : vector<512x1xi1>, vector<512x1xi32>
      %gt3A_229 = arith.cmpf ogt, %select_n3A_227, %select_n3A_225 : vector<512x1xf32>
      %select_n3A_230 = arith.select %gt3A_229, %select_n3A_227, %select_n3A_225 : vector<512x1xi1>, vector<512x1xf32>
      %select_n3A_231 = arith.select %gt3A_229, %select_n3A_228, %select_n3A_226 : vector<512x1xi1>, vector<512x1xi32>
      scf.yield %select_n3A_222, %select_n3A_223, %select_n3A_230, %select_n3A_231 : vector<512x1xf32>, vector<512x1xi32>, vector<512x1xf32>, vector<512x1xi32>
    } else {
      scf.yield %cond3A_32#0, %cond3A_32#1, %cond3A_32#2, %cond3A_32#3 : vector<512x1xf32>, vector<512x1xi32>, vector<512x1xf32>, vector<512x1xi32>
    }
    %get3A_48 = arith.constant 0 : index
    %get3A_49 = arith.constant 2048 : index
    %get3A_50 = vector.load %arg6[%get3A_48, %get3A_49] : memref<1x10240xi32, #tpu.memory_space<vmem>>, vector<1x1xi32>
    %get3A_51 = vector.extract %get3A_50[0, 0] : i32 from vector<1x1xi32>
    %get3A_52 = arith.constant 0 : index
    %get3A_53 = arith.constant 3071 : index
    %get3A_54 = vector.load %arg6[%get3A_52, %get3A_53] : memref<1x10240xi32, #tpu.memory_space<vmem>>, vector<1x1xi32>
    %get3A_55 = vector.extract %get3A_54[0, 0] : i32 from vector<1x1xi32>
    %le3A_56 = arith.cmpi sle, %get3A_51, %get3A_15 : i32
    %ge3A_57 = arith.cmpi sge, %get3A_55, %get3A_11 : i32
    %and3A_58 = arith.andi %le3A_56, %ge3A_57 : i1
    %convert_element_type3A_59 = arith.extui %and3A_58 : i1 to i32
    %cond3A_60 = arith.constant 0 : i32
    %cond3A_61 = arith.cmpi ne, %convert_element_type3A_59, %cond3A_60 : i32
    %cond3A_62:4 = scf.if %cond3A_61 -> (vector<512x1xf32>, vector<512x1xi32>, vector<512x1xf32>, vector<512x1xi32>) {
      %get3A_173 = arith.constant 0 : index
      %get3A_174 = arith.constant 2048 : index
      %get3A_175 = vector.load %arg4[%get3A_173, %get3A_174] : memref<128x10240xf32, #tpu.memory_space<vmem>>, vector<128x1024xf32>
      %get3A_176 = arith.constant 0 : index
      %get3A_177 = arith.constant 2048 : index
      %get3A_178 = vector.load %arg5[%get3A_176, %get3A_177] : memref<1x10240xf32, #tpu.memory_space<vmem>>, vector<1x1024xf32>
      %add3A = vector.broadcast %get3A_4 : vector<512x1xf32> to vector<512x1024xf32>
      %add3A_179 = vector.broadcast %get3A_178 : vector<1x1024xf32> to vector<512x1024xf32>
      %add3A_180 = arith.addf %add3A, %add3A_179 : vector<512x1024xf32>
      %dot_general3A = arith.constant dense<0.000000e+00> : vector<512x1024xf32>
      %dot_general3A_181 = tpu.matmul %get3A_1, %get3A_175, %dot_general3A {dimension_numbers = #tpu.dot_dimension_numbers<[1], [0], [0], [1], [0, 0, 1, 1], [], []>, transpose_lhs_hint = false} : vector<512x128xf32>, vector<128x1024xf32>, vector<512x1024xf32> -> vector<512x1024xf32>
      %mul3A = arith.constant 2.000000e+00 : f32
      %mul3A_182 = vector.broadcast %mul3A : f32 to vector<512x1024xf32>
      %mul3A_183 = arith.mulf %mul3A_182, %dot_general3A_181 : vector<512x1024xf32>
      %sub3A = arith.subf %add3A_180, %mul3A_183 : vector<512x1024xf32>
      %get3A_184 = arith.constant 0 : index
      %get3A_185 = arith.constant 2048 : index
      %get3A_186 = vector.load %arg6[%get3A_184, %get3A_185] : memref<1x10240xi32, #tpu.memory_space<vmem>>, vector<1x1024xi32>
      %eq3A = vector.broadcast %get3A_7 : vector<512x1xi32> to vector<512x1024xi32>
      %eq3A_187 = vector.broadcast %get3A_186 : vector<1x1024xi32> to vector<512x1024xi32>
      %eq3A_188 = arith.cmpi eq, %eq3A, %eq3A_187 : vector<512x1024xi32>
      %neg3A = arith.constant 0.000000e+00 : f32
      %neg3A_189 = vector.broadcast %neg3A : f32 to vector<512x1024xf32>
      %neg3A_190 = arith.subf %neg3A_189, %sub3A : vector<512x1024xf32>
      %jit3A = arith.constant 0xFF800000 : f32
      %broadcast_in_dim3A_191 = vector.broadcast %jit3A : f32 to vector<512x1024xf32>
      %select_n3A = arith.select %eq3A_188, %neg3A_190, %broadcast_in_dim3A_191 : vector<512x1024xi1>, vector<512x1024xf32>
      %iota3A = tpu.iota {dimensions = array<i32: 1>} : vector<512x1024xi32>
      %add3A_192 = arith.constant 2048 : i32
      %add3A_193 = vector.broadcast %add3A_192 : i32 to vector<512x1024xi32>
      %add3A_194 = arith.addi %add3A_193, %iota3A : vector<512x1024xi32>
      %reduce_max3A = arith.constant dense<0xFF800000> : vector<512xf32>
      %reduce_max3A_195 = vector.multi_reduction <maximumf>, %select_n3A, %reduce_max3A [1] : vector<512x1024xf32> to vector<512xf32>
      %broadcast_in_dim3A_196 = vector.shape_cast %reduce_max3A_195 : vector<512xf32> to vector<512x1xf32>
      %eq3A_197 = vector.broadcast %broadcast_in_dim3A_196 : vector<512x1xf32> to vector<512x1024xf32>
      %eq3A_198 = arith.cmpf oeq, %select_n3A, %eq3A_197 : vector<512x1024xf32>
      %jit3A_199 = arith.constant 1073741824 : i32
      %broadcast_in_dim3A_200 = vector.broadcast %jit3A_199 : i32 to vector<512x1024xi32>
      %select_n3A_201 = arith.select %eq3A_198, %add3A_194, %broadcast_in_dim3A_200 : vector<512x1024xi1>, vector<512x1024xi32>
      %reduce_min3A = arith.constant dense<2147483647> : vector<512xi32>
      %reduce_min3A_202 = vector.multi_reduction <minsi>, %select_n3A_201, %reduce_min3A [1] : vector<512x1024xi32> to vector<512xi32>
      %broadcast_in_dim3A_203 = vector.shape_cast %reduce_min3A_202 : vector<512xi32> to vector<512x1xi32>
      %eq3A_204 = vector.broadcast %broadcast_in_dim3A_203 : vector<512x1xi32> to vector<512x1024xi32>
      %eq3A_205 = arith.cmpi eq, %add3A_194, %eq3A_204 : vector<512x1024xi32>
      %jit3A_206 = arith.constant 0xFF800000 : f32
      %broadcast_in_dim3A_207 = vector.broadcast %jit3A_206 : f32 to vector<512x1024xf32>
      %select_n3A_208 = arith.select %eq3A_205, %broadcast_in_dim3A_207, %select_n3A : vector<512x1024xi1>, vector<512x1024xf32>
      %reduce_max3A_209 = arith.constant dense<0xFF800000> : vector<512xf32>
      %reduce_max3A_210 = vector.multi_reduction <maximumf>, %select_n3A_208, %reduce_max3A_209 [1] : vector<512x1024xf32> to vector<512xf32>
      %broadcast_in_dim3A_211 = vector.shape_cast %reduce_max3A_210 : vector<512xf32> to vector<512x1xf32>
      %eq3A_212 = vector.broadcast %broadcast_in_dim3A_211 : vector<512x1xf32> to vector<512x1024xf32>
      %eq3A_213 = arith.cmpf oeq, %select_n3A_208, %eq3A_212 : vector<512x1024xf32>
      %ne3A = vector.broadcast %broadcast_in_dim3A_203 : vector<512x1xi32> to vector<512x1024xi32>
      %ne3A_214 = arith.cmpi ne, %add3A_194, %ne3A : vector<512x1024xi32>
      %and3A_215 = arith.andi %eq3A_213, %ne3A_214 : vector<512x1024xi1>
      %jit3A_216 = arith.constant 1073741824 : i32
      %broadcast_in_dim3A_217 = vector.broadcast %jit3A_216 : i32 to vector<512x1024xi32>
      %select_n3A_218 = arith.select %and3A_215, %add3A_194, %broadcast_in_dim3A_217 : vector<512x1024xi1>, vector<512x1024xi32>
      %reduce_min3A_219 = arith.constant dense<2147483647> : vector<512xi32>
      %reduce_min3A_220 = vector.multi_reduction <minsi>, %select_n3A_218, %reduce_min3A_219 [1] : vector<512x1024xi32> to vector<512xi32>
      %broadcast_in_dim3A_221 = vector.shape_cast %reduce_min3A_220 : vector<512xi32> to vector<512x1xi32>
      %gt3A = arith.cmpf ogt, %broadcast_in_dim3A_196, %cond3A_47#0 : vector<512x1xf32>
      %select_n3A_222 = arith.select %gt3A, %broadcast_in_dim3A_196, %cond3A_47#0 : vector<512x1xi1>, vector<512x1xf32>
      %select_n3A_223 = arith.select %gt3A, %broadcast_in_dim3A_203, %cond3A_47#1 : vector<512x1xi1>, vector<512x1xi32>
      %gt3A_224 = arith.cmpf ogt, %broadcast_in_dim3A_196, %cond3A_47#0 : vector<512x1xf32>
      %select_n3A_225 = arith.select %gt3A_224, %cond3A_47#0, %cond3A_47#2 : vector<512x1xi1>, vector<512x1xf32>
      %select_n3A_226 = arith.select %gt3A_224, %cond3A_47#1, %cond3A_47#3 : vector<512x1xi1>, vector<512x1xi32>
      %select_n3A_227 = arith.select %gt3A_224, %broadcast_in_dim3A_211, %broadcast_in_dim3A_196 : vector<512x1xi1>, vector<512x1xf32>
      %select_n3A_228 = arith.select %gt3A_224, %broadcast_in_dim3A_221, %broadcast_in_dim3A_203 : vector<512x1xi1>, vector<512x1xi32>
      %gt3A_229 = arith.cmpf ogt, %select_n3A_227, %select_n3A_225 : vector<512x1xf32>
      %select_n3A_230 = arith.select %gt3A_229, %select_n3A_227, %select_n3A_225 : vector<512x1xi1>, vector<512x1xf32>
      %select_n3A_231 = arith.select %gt3A_229, %select_n3A_228, %select_n3A_226 : vector<512x1xi1>, vector<512x1xi32>
      scf.yield %select_n3A_222, %select_n3A_223, %select_n3A_230, %select_n3A_231 : vector<512x1xf32>, vector<512x1xi32>, vector<512x1xf32>, vector<512x1xi32>
    } else {
      scf.yield %cond3A_47#0, %cond3A_47#1, %cond3A_47#2, %cond3A_47#3 : vector<512x1xf32>, vector<512x1xi32>, vector<512x1xf32>, vector<512x1xi32>
    }
    %get3A_63 = arith.constant 0 : index
    %get3A_64 = arith.constant 3072 : index
    %get3A_65 = vector.load %arg6[%get3A_63, %get3A_64] : memref<1x10240xi32, #tpu.memory_space<vmem>>, vector<1x1xi32>
    %get3A_66 = vector.extract %get3A_65[0, 0] : i32 from vector<1x1xi32>
    %get3A_67 = arith.constant 0 : index
    %get3A_68 = arith.constant 4095 : index
    %get3A_69 = vector.load %arg6[%get3A_67, %get3A_68] : memref<1x10240xi32, #tpu.memory_space<vmem>>, vector<1x1xi32>
    %get3A_70 = vector.extract %get3A_69[0, 0] : i32 from vector<1x1xi32>
    %le3A_71 = arith.cmpi sle, %get3A_66, %get3A_15 : i32
    %ge3A_72 = arith.cmpi sge, %get3A_70, %get3A_11 : i32
    %and3A_73 = arith.andi %le3A_71, %ge3A_72 : i1
    %convert_element_type3A_74 = arith.extui %and3A_73 : i1 to i32
    %cond3A_75 = arith.constant 0 : i32
    %cond3A_76 = arith.cmpi ne, %convert_element_type3A_74, %cond3A_75 : i32
    %cond3A_77:4 = scf.if %cond3A_76 -> (vector<512x1xf32>, vector<512x1xi32>, vector<512x1xf32>, vector<512x1xi32>) {
      %get3A_173 = arith.constant 0 : index
      %get3A_174 = arith.constant 3072 : index
      %get3A_175 = vector.load %arg4[%get3A_173, %get3A_174] : memref<128x10240xf32, #tpu.memory_space<vmem>>, vector<128x1024xf32>
      %get3A_176 = arith.constant 0 : index
      %get3A_177 = arith.constant 3072 : index
      %get3A_178 = vector.load %arg5[%get3A_176, %get3A_177] : memref<1x10240xf32, #tpu.memory_space<vmem>>, vector<1x1024xf32>
      %add3A = vector.broadcast %get3A_4 : vector<512x1xf32> to vector<512x1024xf32>
      %add3A_179 = vector.broadcast %get3A_178 : vector<1x1024xf32> to vector<512x1024xf32>
      %add3A_180 = arith.addf %add3A, %add3A_179 : vector<512x1024xf32>
      %dot_general3A = arith.constant dense<0.000000e+00> : vector<512x1024xf32>
      %dot_general3A_181 = tpu.matmul %get3A_1, %get3A_175, %dot_general3A {dimension_numbers = #tpu.dot_dimension_numbers<[1], [0], [0], [1], [0, 0, 1, 1], [], []>, transpose_lhs_hint = false} : vector<512x128xf32>, vector<128x1024xf32>, vector<512x1024xf32> -> vector<512x1024xf32>
      %mul3A = arith.constant 2.000000e+00 : f32
      %mul3A_182 = vector.broadcast %mul3A : f32 to vector<512x1024xf32>
      %mul3A_183 = arith.mulf %mul3A_182, %dot_general3A_181 : vector<512x1024xf32>
      %sub3A = arith.subf %add3A_180, %mul3A_183 : vector<512x1024xf32>
      %get3A_184 = arith.constant 0 : index
      %get3A_185 = arith.constant 3072 : index
      %get3A_186 = vector.load %arg6[%get3A_184, %get3A_185] : memref<1x10240xi32, #tpu.memory_space<vmem>>, vector<1x1024xi32>
      %eq3A = vector.broadcast %get3A_7 : vector<512x1xi32> to vector<512x1024xi32>
      %eq3A_187 = vector.broadcast %get3A_186 : vector<1x1024xi32> to vector<512x1024xi32>
      %eq3A_188 = arith.cmpi eq, %eq3A, %eq3A_187 : vector<512x1024xi32>
      %neg3A = arith.constant 0.000000e+00 : f32
      %neg3A_189 = vector.broadcast %neg3A : f32 to vector<512x1024xf32>
      %neg3A_190 = arith.subf %neg3A_189, %sub3A : vector<512x1024xf32>
      %jit3A = arith.constant 0xFF800000 : f32
      %broadcast_in_dim3A_191 = vector.broadcast %jit3A : f32 to vector<512x1024xf32>
      %select_n3A = arith.select %eq3A_188, %neg3A_190, %broadcast_in_dim3A_191 : vector<512x1024xi1>, vector<512x1024xf32>
      %iota3A = tpu.iota {dimensions = array<i32: 1>} : vector<512x1024xi32>
      %add3A_192 = arith.constant 3072 : i32
      %add3A_193 = vector.broadcast %add3A_192 : i32 to vector<512x1024xi32>
      %add3A_194 = arith.addi %add3A_193, %iota3A : vector<512x1024xi32>
      %reduce_max3A = arith.constant dense<0xFF800000> : vector<512xf32>
      %reduce_max3A_195 = vector.multi_reduction <maximumf>, %select_n3A, %reduce_max3A [1] : vector<512x1024xf32> to vector<512xf32>
      %broadcast_in_dim3A_196 = vector.shape_cast %reduce_max3A_195 : vector<512xf32> to vector<512x1xf32>
      %eq3A_197 = vector.broadcast %broadcast_in_dim3A_196 : vector<512x1xf32> to vector<512x1024xf32>
      %eq3A_198 = arith.cmpf oeq, %select_n3A, %eq3A_197 : vector<512x1024xf32>
      %jit3A_199 = arith.constant 1073741824 : i32
      %broadcast_in_dim3A_200 = vector.broadcast %jit3A_199 : i32 to vector<512x1024xi32>
      %select_n3A_201 = arith.select %eq3A_198, %add3A_194, %broadcast_in_dim3A_200 : vector<512x1024xi1>, vector<512x1024xi32>
      %reduce_min3A = arith.constant dense<2147483647> : vector<512xi32>
      %reduce_min3A_202 = vector.multi_reduction <minsi>, %select_n3A_201, %reduce_min3A [1] : vector<512x1024xi32> to vector<512xi32>
      %broadcast_in_dim3A_203 = vector.shape_cast %reduce_min3A_202 : vector<512xi32> to vector<512x1xi32>
      %eq3A_204 = vector.broadcast %broadcast_in_dim3A_203 : vector<512x1xi32> to vector<512x1024xi32>
      %eq3A_205 = arith.cmpi eq, %add3A_194, %eq3A_204 : vector<512x1024xi32>
      %jit3A_206 = arith.constant 0xFF800000 : f32
      %broadcast_in_dim3A_207 = vector.broadcast %jit3A_206 : f32 to vector<512x1024xf32>
      %select_n3A_208 = arith.select %eq3A_205, %broadcast_in_dim3A_207, %select_n3A : vector<512x1024xi1>, vector<512x1024xf32>
      %reduce_max3A_209 = arith.constant dense<0xFF800000> : vector<512xf32>
      %reduce_max3A_210 = vector.multi_reduction <maximumf>, %select_n3A_208, %reduce_max3A_209 [1] : vector<512x1024xf32> to vector<512xf32>
      %broadcast_in_dim3A_211 = vector.shape_cast %reduce_max3A_210 : vector<512xf32> to vector<512x1xf32>
      %eq3A_212 = vector.broadcast %broadcast_in_dim3A_211 : vector<512x1xf32> to vector<512x1024xf32>
      %eq3A_213 = arith.cmpf oeq, %select_n3A_208, %eq3A_212 : vector<512x1024xf32>
      %ne3A = vector.broadcast %broadcast_in_dim3A_203 : vector<512x1xi32> to vector<512x1024xi32>
      %ne3A_214 = arith.cmpi ne, %add3A_194, %ne3A : vector<512x1024xi32>
      %and3A_215 = arith.andi %eq3A_213, %ne3A_214 : vector<512x1024xi1>
      %jit3A_216 = arith.constant 1073741824 : i32
      %broadcast_in_dim3A_217 = vector.broadcast %jit3A_216 : i32 to vector<512x1024xi32>
      %select_n3A_218 = arith.select %and3A_215, %add3A_194, %broadcast_in_dim3A_217 : vector<512x1024xi1>, vector<512x1024xi32>
      %reduce_min3A_219 = arith.constant dense<2147483647> : vector<512xi32>
      %reduce_min3A_220 = vector.multi_reduction <minsi>, %select_n3A_218, %reduce_min3A_219 [1] : vector<512x1024xi32> to vector<512xi32>
      %broadcast_in_dim3A_221 = vector.shape_cast %reduce_min3A_220 : vector<512xi32> to vector<512x1xi32>
      %gt3A = arith.cmpf ogt, %broadcast_in_dim3A_196, %cond3A_62#0 : vector<512x1xf32>
      %select_n3A_222 = arith.select %gt3A, %broadcast_in_dim3A_196, %cond3A_62#0 : vector<512x1xi1>, vector<512x1xf32>
      %select_n3A_223 = arith.select %gt3A, %broadcast_in_dim3A_203, %cond3A_62#1 : vector<512x1xi1>, vector<512x1xi32>
      %gt3A_224 = arith.cmpf ogt, %broadcast_in_dim3A_196, %cond3A_62#0 : vector<512x1xf32>
      %select_n3A_225 = arith.select %gt3A_224, %cond3A_62#0, %cond3A_62#2 : vector<512x1xi1>, vector<512x1xf32>
      %select_n3A_226 = arith.select %gt3A_224, %cond3A_62#1, %cond3A_62#3 : vector<512x1xi1>, vector<512x1xi32>
      %select_n3A_227 = arith.select %gt3A_224, %broadcast_in_dim3A_211, %broadcast_in_dim3A_196 : vector<512x1xi1>, vector<512x1xf32>
      %select_n3A_228 = arith.select %gt3A_224, %broadcast_in_dim3A_221, %broadcast_in_dim3A_203 : vector<512x1xi1>, vector<512x1xi32>
      %gt3A_229 = arith.cmpf ogt, %select_n3A_227, %select_n3A_225 : vector<512x1xf32>
      %select_n3A_230 = arith.select %gt3A_229, %select_n3A_227, %select_n3A_225 : vector<512x1xi1>, vector<512x1xf32>
      %select_n3A_231 = arith.select %gt3A_229, %select_n3A_228, %select_n3A_226 : vector<512x1xi1>, vector<512x1xi32>
      scf.yield %select_n3A_222, %select_n3A_223, %select_n3A_230, %select_n3A_231 : vector<512x1xf32>, vector<512x1xi32>, vector<512x1xf32>, vector<512x1xi32>
    } else {
      scf.yield %cond3A_62#0, %cond3A_62#1, %cond3A_62#2, %cond3A_62#3 : vector<512x1xf32>, vector<512x1xi32>, vector<512x1xf32>, vector<512x1xi32>
    }
    %get3A_78 = arith.constant 0 : index
    %get3A_79 = arith.constant 4096 : index
    %get3A_80 = vector.load %arg6[%get3A_78, %get3A_79] : memref<1x10240xi32, #tpu.memory_space<vmem>>, vector<1x1xi32>
    %get3A_81 = vector.extract %get3A_80[0, 0] : i32 from vector<1x1xi32>
    %get3A_82 = arith.constant 0 : index
    %get3A_83 = arith.constant 5119 : index
    %get3A_84 = vector.load %arg6[%get3A_82, %get3A_83] : memref<1x10240xi32, #tpu.memory_space<vmem>>, vector<1x1xi32>
    %get3A_85 = vector.extract %get3A_84[0, 0] : i32 from vector<1x1xi32>
    %le3A_86 = arith.cmpi sle, %get3A_81, %get3A_15 : i32
    %ge3A_87 = arith.cmpi sge, %get3A_85, %get3A_11 : i32
    %and3A_88 = arith.andi %le3A_86, %ge3A_87 : i1
    %convert_element_type3A_89 = arith.extui %and3A_88 : i1 to i32
    %cond3A_90 = arith.constant 0 : i32
    %cond3A_91 = arith.cmpi ne, %convert_element_type3A_89, %cond3A_90 : i32
    %cond3A_92:4 = scf.if %cond3A_91 -> (vector<512x1xf32>, vector<512x1xi32>, vector<512x1xf32>, vector<512x1xi32>) {
      %get3A_173 = arith.constant 0 : index
      %get3A_174 = arith.constant 4096 : index
      %get3A_175 = vector.load %arg4[%get3A_173, %get3A_174] : memref<128x10240xf32, #tpu.memory_space<vmem>>, vector<128x1024xf32>
      %get3A_176 = arith.constant 0 : index
      %get3A_177 = arith.constant 4096 : index
      %get3A_178 = vector.load %arg5[%get3A_176, %get3A_177] : memref<1x10240xf32, #tpu.memory_space<vmem>>, vector<1x1024xf32>
      %add3A = vector.broadcast %get3A_4 : vector<512x1xf32> to vector<512x1024xf32>
      %add3A_179 = vector.broadcast %get3A_178 : vector<1x1024xf32> to vector<512x1024xf32>
      %add3A_180 = arith.addf %add3A, %add3A_179 : vector<512x1024xf32>
      %dot_general3A = arith.constant dense<0.000000e+00> : vector<512x1024xf32>
      %dot_general3A_181 = tpu.matmul %get3A_1, %get3A_175, %dot_general3A {dimension_numbers = #tpu.dot_dimension_numbers<[1], [0], [0], [1], [0, 0, 1, 1], [], []>, transpose_lhs_hint = false} : vector<512x128xf32>, vector<128x1024xf32>, vector<512x1024xf32> -> vector<512x1024xf32>
      %mul3A = arith.constant 2.000000e+00 : f32
      %mul3A_182 = vector.broadcast %mul3A : f32 to vector<512x1024xf32>
      %mul3A_183 = arith.mulf %mul3A_182, %dot_general3A_181 : vector<512x1024xf32>
      %sub3A = arith.subf %add3A_180, %mul3A_183 : vector<512x1024xf32>
      %get3A_184 = arith.constant 0 : index
      %get3A_185 = arith.constant 4096 : index
      %get3A_186 = vector.load %arg6[%get3A_184, %get3A_185] : memref<1x10240xi32, #tpu.memory_space<vmem>>, vector<1x1024xi32>
      %eq3A = vector.broadcast %get3A_7 : vector<512x1xi32> to vector<512x1024xi32>
      %eq3A_187 = vector.broadcast %get3A_186 : vector<1x1024xi32> to vector<512x1024xi32>
      %eq3A_188 = arith.cmpi eq, %eq3A, %eq3A_187 : vector<512x1024xi32>
      %neg3A = arith.constant 0.000000e+00 : f32
      %neg3A_189 = vector.broadcast %neg3A : f32 to vector<512x1024xf32>
      %neg3A_190 = arith.subf %neg3A_189, %sub3A : vector<512x1024xf32>
      %jit3A = arith.constant 0xFF800000 : f32
      %broadcast_in_dim3A_191 = vector.broadcast %jit3A : f32 to vector<512x1024xf32>
      %select_n3A = arith.select %eq3A_188, %neg3A_190, %broadcast_in_dim3A_191 : vector<512x1024xi1>, vector<512x1024xf32>
      %iota3A = tpu.iota {dimensions = array<i32: 1>} : vector<512x1024xi32>
      %add3A_192 = arith.constant 4096 : i32
      %add3A_193 = vector.broadcast %add3A_192 : i32 to vector<512x1024xi32>
      %add3A_194 = arith.addi %add3A_193, %iota3A : vector<512x1024xi32>
      %reduce_max3A = arith.constant dense<0xFF800000> : vector<512xf32>
      %reduce_max3A_195 = vector.multi_reduction <maximumf>, %select_n3A, %reduce_max3A [1] : vector<512x1024xf32> to vector<512xf32>
      %broadcast_in_dim3A_196 = vector.shape_cast %reduce_max3A_195 : vector<512xf32> to vector<512x1xf32>
      %eq3A_197 = vector.broadcast %broadcast_in_dim3A_196 : vector<512x1xf32> to vector<512x1024xf32>
      %eq3A_198 = arith.cmpf oeq, %select_n3A, %eq3A_197 : vector<512x1024xf32>
      %jit3A_199 = arith.constant 1073741824 : i32
      %broadcast_in_dim3A_200 = vector.broadcast %jit3A_199 : i32 to vector<512x1024xi32>
      %select_n3A_201 = arith.select %eq3A_198, %add3A_194, %broadcast_in_dim3A_200 : vector<512x1024xi1>, vector<512x1024xi32>
      %reduce_min3A = arith.constant dense<2147483647> : vector<512xi32>
      %reduce_min3A_202 = vector.multi_reduction <minsi>, %select_n3A_201, %reduce_min3A [1] : vector<512x1024xi32> to vector<512xi32>
      %broadcast_in_dim3A_203 = vector.shape_cast %reduce_min3A_202 : vector<512xi32> to vector<512x1xi32>
      %eq3A_204 = vector.broadcast %broadcast_in_dim3A_203 : vector<512x1xi32> to vector<512x1024xi32>
      %eq3A_205 = arith.cmpi eq, %add3A_194, %eq3A_204 : vector<512x1024xi32>
      %jit3A_206 = arith.constant 0xFF800000 : f32
      %broadcast_in_dim3A_207 = vector.broadcast %jit3A_206 : f32 to vector<512x1024xf32>
      %select_n3A_208 = arith.select %eq3A_205, %broadcast_in_dim3A_207, %select_n3A : vector<512x1024xi1>, vector<512x1024xf32>
      %reduce_max3A_209 = arith.constant dense<0xFF800000> : vector<512xf32>
      %reduce_max3A_210 = vector.multi_reduction <maximumf>, %select_n3A_208, %reduce_max3A_209 [1] : vector<512x1024xf32> to vector<512xf32>
      %broadcast_in_dim3A_211 = vector.shape_cast %reduce_max3A_210 : vector<512xf32> to vector<512x1xf32>
      %eq3A_212 = vector.broadcast %broadcast_in_dim3A_211 : vector<512x1xf32> to vector<512x1024xf32>
      %eq3A_213 = arith.cmpf oeq, %select_n3A_208, %eq3A_212 : vector<512x1024xf32>
      %ne3A = vector.broadcast %broadcast_in_dim3A_203 : vector<512x1xi32> to vector<512x1024xi32>
      %ne3A_214 = arith.cmpi ne, %add3A_194, %ne3A : vector<512x1024xi32>
      %and3A_215 = arith.andi %eq3A_213, %ne3A_214 : vector<512x1024xi1>
      %jit3A_216 = arith.constant 1073741824 : i32
      %broadcast_in_dim3A_217 = vector.broadcast %jit3A_216 : i32 to vector<512x1024xi32>
      %select_n3A_218 = arith.select %and3A_215, %add3A_194, %broadcast_in_dim3A_217 : vector<512x1024xi1>, vector<512x1024xi32>
      %reduce_min3A_219 = arith.constant dense<2147483647> : vector<512xi32>
      %reduce_min3A_220 = vector.multi_reduction <minsi>, %select_n3A_218, %reduce_min3A_219 [1] : vector<512x1024xi32> to vector<512xi32>
      %broadcast_in_dim3A_221 = vector.shape_cast %reduce_min3A_220 : vector<512xi32> to vector<512x1xi32>
      %gt3A = arith.cmpf ogt, %broadcast_in_dim3A_196, %cond3A_77#0 : vector<512x1xf32>
      %select_n3A_222 = arith.select %gt3A, %broadcast_in_dim3A_196, %cond3A_77#0 : vector<512x1xi1>, vector<512x1xf32>
      %select_n3A_223 = arith.select %gt3A, %broadcast_in_dim3A_203, %cond3A_77#1 : vector<512x1xi1>, vector<512x1xi32>
      %gt3A_224 = arith.cmpf ogt, %broadcast_in_dim3A_196, %cond3A_77#0 : vector<512x1xf32>
      %select_n3A_225 = arith.select %gt3A_224, %cond3A_77#0, %cond3A_77#2 : vector<512x1xi1>, vector<512x1xf32>
      %select_n3A_226 = arith.select %gt3A_224, %cond3A_77#1, %cond3A_77#3 : vector<512x1xi1>, vector<512x1xi32>
      %select_n3A_227 = arith.select %gt3A_224, %broadcast_in_dim3A_211, %broadcast_in_dim3A_196 : vector<512x1xi1>, vector<512x1xf32>
      %select_n3A_228 = arith.select %gt3A_224, %broadcast_in_dim3A_221, %broadcast_in_dim3A_203 : vector<512x1xi1>, vector<512x1xi32>
      %gt3A_229 = arith.cmpf ogt, %select_n3A_227, %select_n3A_225 : vector<512x1xf32>
      %select_n3A_230 = arith.select %gt3A_229, %select_n3A_227, %select_n3A_225 : vector<512x1xi1>, vector<512x1xf32>
      %select_n3A_231 = arith.select %gt3A_229, %select_n3A_228, %select_n3A_226 : vector<512x1xi1>, vector<512x1xi32>
      scf.yield %select_n3A_222, %select_n3A_223, %select_n3A_230, %select_n3A_231 : vector<512x1xf32>, vector<512x1xi32>, vector<512x1xf32>, vector<512x1xi32>
    } else {
      scf.yield %cond3A_77#0, %cond3A_77#1, %cond3A_77#2, %cond3A_77#3 : vector<512x1xf32>, vector<512x1xi32>, vector<512x1xf32>, vector<512x1xi32>
    }
    %get3A_93 = arith.constant 0 : index
    %get3A_94 = arith.constant 5120 : index
    %get3A_95 = vector.load %arg6[%get3A_93, %get3A_94] : memref<1x10240xi32, #tpu.memory_space<vmem>>, vector<1x1xi32>
    %get3A_96 = vector.extract %get3A_95[0, 0] : i32 from vector<1x1xi32>
    %get3A_97 = arith.constant 0 : index
    %get3A_98 = arith.constant 6143 : index
    %get3A_99 = vector.load %arg6[%get3A_97, %get3A_98] : memref<1x10240xi32, #tpu.memory_space<vmem>>, vector<1x1xi32>
    %get3A_100 = vector.extract %get3A_99[0, 0] : i32 from vector<1x1xi32>
    %le3A_101 = arith.cmpi sle, %get3A_96, %get3A_15 : i32
    %ge3A_102 = arith.cmpi sge, %get3A_100, %get3A_11 : i32
    %and3A_103 = arith.andi %le3A_101, %ge3A_102 : i1
    %convert_element_type3A_104 = arith.extui %and3A_103 : i1 to i32
    %cond3A_105 = arith.constant 0 : i32
    %cond3A_106 = arith.cmpi ne, %convert_element_type3A_104, %cond3A_105 : i32
    %cond3A_107:4 = scf.if %cond3A_106 -> (vector<512x1xf32>, vector<512x1xi32>, vector<512x1xf32>, vector<512x1xi32>) {
      %get3A_173 = arith.constant 0 : index
      %get3A_174 = arith.constant 5120 : index
      %get3A_175 = vector.load %arg4[%get3A_173, %get3A_174] : memref<128x10240xf32, #tpu.memory_space<vmem>>, vector<128x1024xf32>
      %get3A_176 = arith.constant 0 : index
      %get3A_177 = arith.constant 5120 : index
      %get3A_178 = vector.load %arg5[%get3A_176, %get3A_177] : memref<1x10240xf32, #tpu.memory_space<vmem>>, vector<1x1024xf32>
      %add3A = vector.broadcast %get3A_4 : vector<512x1xf32> to vector<512x1024xf32>
      %add3A_179 = vector.broadcast %get3A_178 : vector<1x1024xf32> to vector<512x1024xf32>
      %add3A_180 = arith.addf %add3A, %add3A_179 : vector<512x1024xf32>
      %dot_general3A = arith.constant dense<0.000000e+00> : vector<512x1024xf32>
      %dot_general3A_181 = tpu.matmul %get3A_1, %get3A_175, %dot_general3A {dimension_numbers = #tpu.dot_dimension_numbers<[1], [0], [0], [1], [0, 0, 1, 1], [], []>, transpose_lhs_hint = false} : vector<512x128xf32>, vector<128x1024xf32>, vector<512x1024xf32> -> vector<512x1024xf32>
      %mul3A = arith.constant 2.000000e+00 : f32
      %mul3A_182 = vector.broadcast %mul3A : f32 to vector<512x1024xf32>
      %mul3A_183 = arith.mulf %mul3A_182, %dot_general3A_181 : vector<512x1024xf32>
      %sub3A = arith.subf %add3A_180, %mul3A_183 : vector<512x1024xf32>
      %get3A_184 = arith.constant 0 : index
      %get3A_185 = arith.constant 5120 : index
      %get3A_186 = vector.load %arg6[%get3A_184, %get3A_185] : memref<1x10240xi32, #tpu.memory_space<vmem>>, vector<1x1024xi32>
      %eq3A = vector.broadcast %get3A_7 : vector<512x1xi32> to vector<512x1024xi32>
      %eq3A_187 = vector.broadcast %get3A_186 : vector<1x1024xi32> to vector<512x1024xi32>
      %eq3A_188 = arith.cmpi eq, %eq3A, %eq3A_187 : vector<512x1024xi32>
      %neg3A = arith.constant 0.000000e+00 : f32
      %neg3A_189 = vector.broadcast %neg3A : f32 to vector<512x1024xf32>
      %neg3A_190 = arith.subf %neg3A_189, %sub3A : vector<512x1024xf32>
      %jit3A = arith.constant 0xFF800000 : f32
      %broadcast_in_dim3A_191 = vector.broadcast %jit3A : f32 to vector<512x1024xf32>
      %select_n3A = arith.select %eq3A_188, %neg3A_190, %broadcast_in_dim3A_191 : vector<512x1024xi1>, vector<512x1024xf32>
      %iota3A = tpu.iota {dimensions = array<i32: 1>} : vector<512x1024xi32>
      %add3A_192 = arith.constant 5120 : i32
      %add3A_193 = vector.broadcast %add3A_192 : i32 to vector<512x1024xi32>
      %add3A_194 = arith.addi %add3A_193, %iota3A : vector<512x1024xi32>
      %reduce_max3A = arith.constant dense<0xFF800000> : vector<512xf32>
      %reduce_max3A_195 = vector.multi_reduction <maximumf>, %select_n3A, %reduce_max3A [1] : vector<512x1024xf32> to vector<512xf32>
      %broadcast_in_dim3A_196 = vector.shape_cast %reduce_max3A_195 : vector<512xf32> to vector<512x1xf32>
      %eq3A_197 = vector.broadcast %broadcast_in_dim3A_196 : vector<512x1xf32> to vector<512x1024xf32>
      %eq3A_198 = arith.cmpf oeq, %select_n3A, %eq3A_197 : vector<512x1024xf32>
      %jit3A_199 = arith.constant 1073741824 : i32
      %broadcast_in_dim3A_200 = vector.broadcast %jit3A_199 : i32 to vector<512x1024xi32>
      %select_n3A_201 = arith.select %eq3A_198, %add3A_194, %broadcast_in_dim3A_200 : vector<512x1024xi1>, vector<512x1024xi32>
      %reduce_min3A = arith.constant dense<2147483647> : vector<512xi32>
      %reduce_min3A_202 = vector.multi_reduction <minsi>, %select_n3A_201, %reduce_min3A [1] : vector<512x1024xi32> to vector<512xi32>
      %broadcast_in_dim3A_203 = vector.shape_cast %reduce_min3A_202 : vector<512xi32> to vector<512x1xi32>
      %eq3A_204 = vector.broadcast %broadcast_in_dim3A_203 : vector<512x1xi32> to vector<512x1024xi32>
      %eq3A_205 = arith.cmpi eq, %add3A_194, %eq3A_204 : vector<512x1024xi32>
      %jit3A_206 = arith.constant 0xFF800000 : f32
      %broadcast_in_dim3A_207 = vector.broadcast %jit3A_206 : f32 to vector<512x1024xf32>
      %select_n3A_208 = arith.select %eq3A_205, %broadcast_in_dim3A_207, %select_n3A : vector<512x1024xi1>, vector<512x1024xf32>
      %reduce_max3A_209 = arith.constant dense<0xFF800000> : vector<512xf32>
      %reduce_max3A_210 = vector.multi_reduction <maximumf>, %select_n3A_208, %reduce_max3A_209 [1] : vector<512x1024xf32> to vector<512xf32>
      %broadcast_in_dim3A_211 = vector.shape_cast %reduce_max3A_210 : vector<512xf32> to vector<512x1xf32>
      %eq3A_212 = vector.broadcast %broadcast_in_dim3A_211 : vector<512x1xf32> to vector<512x1024xf32>
      %eq3A_213 = arith.cmpf oeq, %select_n3A_208, %eq3A_212 : vector<512x1024xf32>
      %ne3A = vector.broadcast %broadcast_in_dim3A_203 : vector<512x1xi32> to vector<512x1024xi32>
      %ne3A_214 = arith.cmpi ne, %add3A_194, %ne3A : vector<512x1024xi32>
      %and3A_215 = arith.andi %eq3A_213, %ne3A_214 : vector<512x1024xi1>
      %jit3A_216 = arith.constant 1073741824 : i32
      %broadcast_in_dim3A_217 = vector.broadcast %jit3A_216 : i32 to vector<512x1024xi32>
      %select_n3A_218 = arith.select %and3A_215, %add3A_194, %broadcast_in_dim3A_217 : vector<512x1024xi1>, vector<512x1024xi32>
      %reduce_min3A_219 = arith.constant dense<2147483647> : vector<512xi32>
      %reduce_min3A_220 = vector.multi_reduction <minsi>, %select_n3A_218, %reduce_min3A_219 [1] : vector<512x1024xi32> to vector<512xi32>
      %broadcast_in_dim3A_221 = vector.shape_cast %reduce_min3A_220 : vector<512xi32> to vector<512x1xi32>
      %gt3A = arith.cmpf ogt, %broadcast_in_dim3A_196, %cond3A_92#0 : vector<512x1xf32>
      %select_n3A_222 = arith.select %gt3A, %broadcast_in_dim3A_196, %cond3A_92#0 : vector<512x1xi1>, vector<512x1xf32>
      %select_n3A_223 = arith.select %gt3A, %broadcast_in_dim3A_203, %cond3A_92#1 : vector<512x1xi1>, vector<512x1xi32>
      %gt3A_224 = arith.cmpf ogt, %broadcast_in_dim3A_196, %cond3A_92#0 : vector<512x1xf32>
      %select_n3A_225 = arith.select %gt3A_224, %cond3A_92#0, %cond3A_92#2 : vector<512x1xi1>, vector<512x1xf32>
      %select_n3A_226 = arith.select %gt3A_224, %cond3A_92#1, %cond3A_92#3 : vector<512x1xi1>, vector<512x1xi32>
      %select_n3A_227 = arith.select %gt3A_224, %broadcast_in_dim3A_211, %broadcast_in_dim3A_196 : vector<512x1xi1>, vector<512x1xf32>
      %select_n3A_228 = arith.select %gt3A_224, %broadcast_in_dim3A_221, %broadcast_in_dim3A_203 : vector<512x1xi1>, vector<512x1xi32>
      %gt3A_229 = arith.cmpf ogt, %select_n3A_227, %select_n3A_225 : vector<512x1xf32>
      %select_n3A_230 = arith.select %gt3A_229, %select_n3A_227, %select_n3A_225 : vector<512x1xi1>, vector<512x1xf32>
      %select_n3A_231 = arith.select %gt3A_229, %select_n3A_228, %select_n3A_226 : vector<512x1xi1>, vector<512x1xi32>
      scf.yield %select_n3A_222, %select_n3A_223, %select_n3A_230, %select_n3A_231 : vector<512x1xf32>, vector<512x1xi32>, vector<512x1xf32>, vector<512x1xi32>
    } else {
      scf.yield %cond3A_92#0, %cond3A_92#1, %cond3A_92#2, %cond3A_92#3 : vector<512x1xf32>, vector<512x1xi32>, vector<512x1xf32>, vector<512x1xi32>
    }
    %get3A_108 = arith.constant 0 : index
    %get3A_109 = arith.constant 6144 : index
    %get3A_110 = vector.load %arg6[%get3A_108, %get3A_109] : memref<1x10240xi32, #tpu.memory_space<vmem>>, vector<1x1xi32>
    %get3A_111 = vector.extract %get3A_110[0, 0] : i32 from vector<1x1xi32>
    %get3A_112 = arith.constant 0 : index
    %get3A_113 = arith.constant 7167 : index
    %get3A_114 = vector.load %arg6[%get3A_112, %get3A_113] : memref<1x10240xi32, #tpu.memory_space<vmem>>, vector<1x1xi32>
    %get3A_115 = vector.extract %get3A_114[0, 0] : i32 from vector<1x1xi32>
    %le3A_116 = arith.cmpi sle, %get3A_111, %get3A_15 : i32
    %ge3A_117 = arith.cmpi sge, %get3A_115, %get3A_11 : i32
    %and3A_118 = arith.andi %le3A_116, %ge3A_117 : i1
    %convert_element_type3A_119 = arith.extui %and3A_118 : i1 to i32
    %cond3A_120 = arith.constant 0 : i32
    %cond3A_121 = arith.cmpi ne, %convert_element_type3A_119, %cond3A_120 : i32
    %cond3A_122:4 = scf.if %cond3A_121 -> (vector<512x1xf32>, vector<512x1xi32>, vector<512x1xf32>, vector<512x1xi32>) {
      %get3A_173 = arith.constant 0 : index
      %get3A_174 = arith.constant 6144 : index
      %get3A_175 = vector.load %arg4[%get3A_173, %get3A_174] : memref<128x10240xf32, #tpu.memory_space<vmem>>, vector<128x1024xf32>
      %get3A_176 = arith.constant 0 : index
      %get3A_177 = arith.constant 6144 : index
      %get3A_178 = vector.load %arg5[%get3A_176, %get3A_177] : memref<1x10240xf32, #tpu.memory_space<vmem>>, vector<1x1024xf32>
      %add3A = vector.broadcast %get3A_4 : vector<512x1xf32> to vector<512x1024xf32>
      %add3A_179 = vector.broadcast %get3A_178 : vector<1x1024xf32> to vector<512x1024xf32>
      %add3A_180 = arith.addf %add3A, %add3A_179 : vector<512x1024xf32>
      %dot_general3A = arith.constant dense<0.000000e+00> : vector<512x1024xf32>
      %dot_general3A_181 = tpu.matmul %get3A_1, %get3A_175, %dot_general3A {dimension_numbers = #tpu.dot_dimension_numbers<[1], [0], [0], [1], [0, 0, 1, 1], [], []>, transpose_lhs_hint = false} : vector<512x128xf32>, vector<128x1024xf32>, vector<512x1024xf32> -> vector<512x1024xf32>
      %mul3A = arith.constant 2.000000e+00 : f32
      %mul3A_182 = vector.broadcast %mul3A : f32 to vector<512x1024xf32>
      %mul3A_183 = arith.mulf %mul3A_182, %dot_general3A_181 : vector<512x1024xf32>
      %sub3A = arith.subf %add3A_180, %mul3A_183 : vector<512x1024xf32>
      %get3A_184 = arith.constant 0 : index
      %get3A_185 = arith.constant 6144 : index
      %get3A_186 = vector.load %arg6[%get3A_184, %get3A_185] : memref<1x10240xi32, #tpu.memory_space<vmem>>, vector<1x1024xi32>
      %eq3A = vector.broadcast %get3A_7 : vector<512x1xi32> to vector<512x1024xi32>
      %eq3A_187 = vector.broadcast %get3A_186 : vector<1x1024xi32> to vector<512x1024xi32>
      %eq3A_188 = arith.cmpi eq, %eq3A, %eq3A_187 : vector<512x1024xi32>
      %neg3A = arith.constant 0.000000e+00 : f32
      %neg3A_189 = vector.broadcast %neg3A : f32 to vector<512x1024xf32>
      %neg3A_190 = arith.subf %neg3A_189, %sub3A : vector<512x1024xf32>
      %jit3A = arith.constant 0xFF800000 : f32
      %broadcast_in_dim3A_191 = vector.broadcast %jit3A : f32 to vector<512x1024xf32>
      %select_n3A = arith.select %eq3A_188, %neg3A_190, %broadcast_in_dim3A_191 : vector<512x1024xi1>, vector<512x1024xf32>
      %iota3A = tpu.iota {dimensions = array<i32: 1>} : vector<512x1024xi32>
      %add3A_192 = arith.constant 6144 : i32
      %add3A_193 = vector.broadcast %add3A_192 : i32 to vector<512x1024xi32>
      %add3A_194 = arith.addi %add3A_193, %iota3A : vector<512x1024xi32>
      %reduce_max3A = arith.constant dense<0xFF800000> : vector<512xf32>
      %reduce_max3A_195 = vector.multi_reduction <maximumf>, %select_n3A, %reduce_max3A [1] : vector<512x1024xf32> to vector<512xf32>
      %broadcast_in_dim3A_196 = vector.shape_cast %reduce_max3A_195 : vector<512xf32> to vector<512x1xf32>
      %eq3A_197 = vector.broadcast %broadcast_in_dim3A_196 : vector<512x1xf32> to vector<512x1024xf32>
      %eq3A_198 = arith.cmpf oeq, %select_n3A, %eq3A_197 : vector<512x1024xf32>
      %jit3A_199 = arith.constant 1073741824 : i32
      %broadcast_in_dim3A_200 = vector.broadcast %jit3A_199 : i32 to vector<512x1024xi32>
      %select_n3A_201 = arith.select %eq3A_198, %add3A_194, %broadcast_in_dim3A_200 : vector<512x1024xi1>, vector<512x1024xi32>
      %reduce_min3A = arith.constant dense<2147483647> : vector<512xi32>
      %reduce_min3A_202 = vector.multi_reduction <minsi>, %select_n3A_201, %reduce_min3A [1] : vector<512x1024xi32> to vector<512xi32>
      %broadcast_in_dim3A_203 = vector.shape_cast %reduce_min3A_202 : vector<512xi32> to vector<512x1xi32>
      %eq3A_204 = vector.broadcast %broadcast_in_dim3A_203 : vector<512x1xi32> to vector<512x1024xi32>
      %eq3A_205 = arith.cmpi eq, %add3A_194, %eq3A_204 : vector<512x1024xi32>
      %jit3A_206 = arith.constant 0xFF800000 : f32
      %broadcast_in_dim3A_207 = vector.broadcast %jit3A_206 : f32 to vector<512x1024xf32>
      %select_n3A_208 = arith.select %eq3A_205, %broadcast_in_dim3A_207, %select_n3A : vector<512x1024xi1>, vector<512x1024xf32>
      %reduce_max3A_209 = arith.constant dense<0xFF800000> : vector<512xf32>
      %reduce_max3A_210 = vector.multi_reduction <maximumf>, %select_n3A_208, %reduce_max3A_209 [1] : vector<512x1024xf32> to vector<512xf32>
      %broadcast_in_dim3A_211 = vector.shape_cast %reduce_max3A_210 : vector<512xf32> to vector<512x1xf32>
      %eq3A_212 = vector.broadcast %broadcast_in_dim3A_211 : vector<512x1xf32> to vector<512x1024xf32>
      %eq3A_213 = arith.cmpf oeq, %select_n3A_208, %eq3A_212 : vector<512x1024xf32>
      %ne3A = vector.broadcast %broadcast_in_dim3A_203 : vector<512x1xi32> to vector<512x1024xi32>
      %ne3A_214 = arith.cmpi ne, %add3A_194, %ne3A : vector<512x1024xi32>
      %and3A_215 = arith.andi %eq3A_213, %ne3A_214 : vector<512x1024xi1>
      %jit3A_216 = arith.constant 1073741824 : i32
      %broadcast_in_dim3A_217 = vector.broadcast %jit3A_216 : i32 to vector<512x1024xi32>
      %select_n3A_218 = arith.select %and3A_215, %add3A_194, %broadcast_in_dim3A_217 : vector<512x1024xi1>, vector<512x1024xi32>
      %reduce_min3A_219 = arith.constant dense<2147483647> : vector<512xi32>
      %reduce_min3A_220 = vector.multi_reduction <minsi>, %select_n3A_218, %reduce_min3A_219 [1] : vector<512x1024xi32> to vector<512xi32>
      %broadcast_in_dim3A_221 = vector.shape_cast %reduce_min3A_220 : vector<512xi32> to vector<512x1xi32>
      %gt3A = arith.cmpf ogt, %broadcast_in_dim3A_196, %cond3A_107#0 : vector<512x1xf32>
      %select_n3A_222 = arith.select %gt3A, %broadcast_in_dim3A_196, %cond3A_107#0 : vector<512x1xi1>, vector<512x1xf32>
      %select_n3A_223 = arith.select %gt3A, %broadcast_in_dim3A_203, %cond3A_107#1 : vector<512x1xi1>, vector<512x1xi32>
      %gt3A_224 = arith.cmpf ogt, %broadcast_in_dim3A_196, %cond3A_107#0 : vector<512x1xf32>
      %select_n3A_225 = arith.select %gt3A_224, %cond3A_107#0, %cond3A_107#2 : vector<512x1xi1>, vector<512x1xf32>
      %select_n3A_226 = arith.select %gt3A_224, %cond3A_107#1, %cond3A_107#3 : vector<512x1xi1>, vector<512x1xi32>
      %select_n3A_227 = arith.select %gt3A_224, %broadcast_in_dim3A_211, %broadcast_in_dim3A_196 : vector<512x1xi1>, vector<512x1xf32>
      %select_n3A_228 = arith.select %gt3A_224, %broadcast_in_dim3A_221, %broadcast_in_dim3A_203 : vector<512x1xi1>, vector<512x1xi32>
      %gt3A_229 = arith.cmpf ogt, %select_n3A_227, %select_n3A_225 : vector<512x1xf32>
      %select_n3A_230 = arith.select %gt3A_229, %select_n3A_227, %select_n3A_225 : vector<512x1xi1>, vector<512x1xf32>
      %select_n3A_231 = arith.select %gt3A_229, %select_n3A_228, %select_n3A_226 : vector<512x1xi1>, vector<512x1xi32>
      scf.yield %select_n3A_222, %select_n3A_223, %select_n3A_230, %select_n3A_231 : vector<512x1xf32>, vector<512x1xi32>, vector<512x1xf32>, vector<512x1xi32>
    } else {
      scf.yield %cond3A_107#0, %cond3A_107#1, %cond3A_107#2, %cond3A_107#3 : vector<512x1xf32>, vector<512x1xi32>, vector<512x1xf32>, vector<512x1xi32>
    }
    %get3A_123 = arith.constant 0 : index
    %get3A_124 = arith.constant 7168 : index
    %get3A_125 = vector.load %arg6[%get3A_123, %get3A_124] : memref<1x10240xi32, #tpu.memory_space<vmem>>, vector<1x1xi32>
    %get3A_126 = vector.extract %get3A_125[0, 0] : i32 from vector<1x1xi32>
    %get3A_127 = arith.constant 0 : index
    %get3A_128 = arith.constant 8191 : index
    %get3A_129 = vector.load %arg6[%get3A_127, %get3A_128] : memref<1x10240xi32, #tpu.memory_space<vmem>>, vector<1x1xi32>
    %get3A_130 = vector.extract %get3A_129[0, 0] : i32 from vector<1x1xi32>
    %le3A_131 = arith.cmpi sle, %get3A_126, %get3A_15 : i32
    %ge3A_132 = arith.cmpi sge, %get3A_130, %get3A_11 : i32
    %and3A_133 = arith.andi %le3A_131, %ge3A_132 : i1
    %convert_element_type3A_134 = arith.extui %and3A_133 : i1 to i32
    %cond3A_135 = arith.constant 0 : i32
    %cond3A_136 = arith.cmpi ne, %convert_element_type3A_134, %cond3A_135 : i32
    %cond3A_137:4 = scf.if %cond3A_136 -> (vector<512x1xf32>, vector<512x1xi32>, vector<512x1xf32>, vector<512x1xi32>) {
      %get3A_173 = arith.constant 0 : index
      %get3A_174 = arith.constant 7168 : index
      %get3A_175 = vector.load %arg4[%get3A_173, %get3A_174] : memref<128x10240xf32, #tpu.memory_space<vmem>>, vector<128x1024xf32>
      %get3A_176 = arith.constant 0 : index
      %get3A_177 = arith.constant 7168 : index
      %get3A_178 = vector.load %arg5[%get3A_176, %get3A_177] : memref<1x10240xf32, #tpu.memory_space<vmem>>, vector<1x1024xf32>
      %add3A = vector.broadcast %get3A_4 : vector<512x1xf32> to vector<512x1024xf32>
      %add3A_179 = vector.broadcast %get3A_178 : vector<1x1024xf32> to vector<512x1024xf32>
      %add3A_180 = arith.addf %add3A, %add3A_179 : vector<512x1024xf32>
      %dot_general3A = arith.constant dense<0.000000e+00> : vector<512x1024xf32>
      %dot_general3A_181 = tpu.matmul %get3A_1, %get3A_175, %dot_general3A {dimension_numbers = #tpu.dot_dimension_numbers<[1], [0], [0], [1], [0, 0, 1, 1], [], []>, transpose_lhs_hint = false} : vector<512x128xf32>, vector<128x1024xf32>, vector<512x1024xf32> -> vector<512x1024xf32>
      %mul3A = arith.constant 2.000000e+00 : f32
      %mul3A_182 = vector.broadcast %mul3A : f32 to vector<512x1024xf32>
      %mul3A_183 = arith.mulf %mul3A_182, %dot_general3A_181 : vector<512x1024xf32>
      %sub3A = arith.subf %add3A_180, %mul3A_183 : vector<512x1024xf32>
      %get3A_184 = arith.constant 0 : index
      %get3A_185 = arith.constant 7168 : index
      %get3A_186 = vector.load %arg6[%get3A_184, %get3A_185] : memref<1x10240xi32, #tpu.memory_space<vmem>>, vector<1x1024xi32>
      %eq3A = vector.broadcast %get3A_7 : vector<512x1xi32> to vector<512x1024xi32>
      %eq3A_187 = vector.broadcast %get3A_186 : vector<1x1024xi32> to vector<512x1024xi32>
      %eq3A_188 = arith.cmpi eq, %eq3A, %eq3A_187 : vector<512x1024xi32>
      %neg3A = arith.constant 0.000000e+00 : f32
      %neg3A_189 = vector.broadcast %neg3A : f32 to vector<512x1024xf32>
      %neg3A_190 = arith.subf %neg3A_189, %sub3A : vector<512x1024xf32>
      %jit3A = arith.constant 0xFF800000 : f32
      %broadcast_in_dim3A_191 = vector.broadcast %jit3A : f32 to vector<512x1024xf32>
      %select_n3A = arith.select %eq3A_188, %neg3A_190, %broadcast_in_dim3A_191 : vector<512x1024xi1>, vector<512x1024xf32>
      %iota3A = tpu.iota {dimensions = array<i32: 1>} : vector<512x1024xi32>
      %add3A_192 = arith.constant 7168 : i32
      %add3A_193 = vector.broadcast %add3A_192 : i32 to vector<512x1024xi32>
      %add3A_194 = arith.addi %add3A_193, %iota3A : vector<512x1024xi32>
      %reduce_max3A = arith.constant dense<0xFF800000> : vector<512xf32>
      %reduce_max3A_195 = vector.multi_reduction <maximumf>, %select_n3A, %reduce_max3A [1] : vector<512x1024xf32> to vector<512xf32>
      %broadcast_in_dim3A_196 = vector.shape_cast %reduce_max3A_195 : vector<512xf32> to vector<512x1xf32>
      %eq3A_197 = vector.broadcast %broadcast_in_dim3A_196 : vector<512x1xf32> to vector<512x1024xf32>
      %eq3A_198 = arith.cmpf oeq, %select_n3A, %eq3A_197 : vector<512x1024xf32>
      %jit3A_199 = arith.constant 1073741824 : i32
      %broadcast_in_dim3A_200 = vector.broadcast %jit3A_199 : i32 to vector<512x1024xi32>
      %select_n3A_201 = arith.select %eq3A_198, %add3A_194, %broadcast_in_dim3A_200 : vector<512x1024xi1>, vector<512x1024xi32>
      %reduce_min3A = arith.constant dense<2147483647> : vector<512xi32>
      %reduce_min3A_202 = vector.multi_reduction <minsi>, %select_n3A_201, %reduce_min3A [1] : vector<512x1024xi32> to vector<512xi32>
      %broadcast_in_dim3A_203 = vector.shape_cast %reduce_min3A_202 : vector<512xi32> to vector<512x1xi32>
      %eq3A_204 = vector.broadcast %broadcast_in_dim3A_203 : vector<512x1xi32> to vector<512x1024xi32>
      %eq3A_205 = arith.cmpi eq, %add3A_194, %eq3A_204 : vector<512x1024xi32>
      %jit3A_206 = arith.constant 0xFF800000 : f32
      %broadcast_in_dim3A_207 = vector.broadcast %jit3A_206 : f32 to vector<512x1024xf32>
      %select_n3A_208 = arith.select %eq3A_205, %broadcast_in_dim3A_207, %select_n3A : vector<512x1024xi1>, vector<512x1024xf32>
      %reduce_max3A_209 = arith.constant dense<0xFF800000> : vector<512xf32>
      %reduce_max3A_210 = vector.multi_reduction <maximumf>, %select_n3A_208, %reduce_max3A_209 [1] : vector<512x1024xf32> to vector<512xf32>
      %broadcast_in_dim3A_211 = vector.shape_cast %reduce_max3A_210 : vector<512xf32> to vector<512x1xf32>
      %eq3A_212 = vector.broadcast %broadcast_in_dim3A_211 : vector<512x1xf32> to vector<512x1024xf32>
      %eq3A_213 = arith.cmpf oeq, %select_n3A_208, %eq3A_212 : vector<512x1024xf32>
      %ne3A = vector.broadcast %broadcast_in_dim3A_203 : vector<512x1xi32> to vector<512x1024xi32>
      %ne3A_214 = arith.cmpi ne, %add3A_194, %ne3A : vector<512x1024xi32>
      %and3A_215 = arith.andi %eq3A_213, %ne3A_214 : vector<512x1024xi1>
      %jit3A_216 = arith.constant 1073741824 : i32
      %broadcast_in_dim3A_217 = vector.broadcast %jit3A_216 : i32 to vector<512x1024xi32>
      %select_n3A_218 = arith.select %and3A_215, %add3A_194, %broadcast_in_dim3A_217 : vector<512x1024xi1>, vector<512x1024xi32>
      %reduce_min3A_219 = arith.constant dense<2147483647> : vector<512xi32>
      %reduce_min3A_220 = vector.multi_reduction <minsi>, %select_n3A_218, %reduce_min3A_219 [1] : vector<512x1024xi32> to vector<512xi32>
      %broadcast_in_dim3A_221 = vector.shape_cast %reduce_min3A_220 : vector<512xi32> to vector<512x1xi32>
      %gt3A = arith.cmpf ogt, %broadcast_in_dim3A_196, %cond3A_122#0 : vector<512x1xf32>
      %select_n3A_222 = arith.select %gt3A, %broadcast_in_dim3A_196, %cond3A_122#0 : vector<512x1xi1>, vector<512x1xf32>
      %select_n3A_223 = arith.select %gt3A, %broadcast_in_dim3A_203, %cond3A_122#1 : vector<512x1xi1>, vector<512x1xi32>
      %gt3A_224 = arith.cmpf ogt, %broadcast_in_dim3A_196, %cond3A_122#0 : vector<512x1xf32>
      %select_n3A_225 = arith.select %gt3A_224, %cond3A_122#0, %cond3A_122#2 : vector<512x1xi1>, vector<512x1xf32>
      %select_n3A_226 = arith.select %gt3A_224, %cond3A_122#1, %cond3A_122#3 : vector<512x1xi1>, vector<512x1xi32>
      %select_n3A_227 = arith.select %gt3A_224, %broadcast_in_dim3A_211, %broadcast_in_dim3A_196 : vector<512x1xi1>, vector<512x1xf32>
      %select_n3A_228 = arith.select %gt3A_224, %broadcast_in_dim3A_221, %broadcast_in_dim3A_203 : vector<512x1xi1>, vector<512x1xi32>
      %gt3A_229 = arith.cmpf ogt, %select_n3A_227, %select_n3A_225 : vector<512x1xf32>
      %select_n3A_230 = arith.select %gt3A_229, %select_n3A_227, %select_n3A_225 : vector<512x1xi1>, vector<512x1xf32>
      %select_n3A_231 = arith.select %gt3A_229, %select_n3A_228, %select_n3A_226 : vector<512x1xi1>, vector<512x1xi32>
      scf.yield %select_n3A_222, %select_n3A_223, %select_n3A_230, %select_n3A_231 : vector<512x1xf32>, vector<512x1xi32>, vector<512x1xf32>, vector<512x1xi32>
    } else {
      scf.yield %cond3A_122#0, %cond3A_122#1, %cond3A_122#2, %cond3A_122#3 : vector<512x1xf32>, vector<512x1xi32>, vector<512x1xf32>, vector<512x1xi32>
    }
    %get3A_138 = arith.constant 0 : index
    %get3A_139 = arith.constant 8192 : index
    %get3A_140 = vector.load %arg6[%get3A_138, %get3A_139] : memref<1x10240xi32, #tpu.memory_space<vmem>>, vector<1x1xi32>
    %get3A_141 = vector.extract %get3A_140[0, 0] : i32 from vector<1x1xi32>
    %get3A_142 = arith.constant 0 : index
    %get3A_143 = arith.constant 9215 : index
    %get3A_144 = vector.load %arg6[%get3A_142, %get3A_143] : memref<1x10240xi32, #tpu.memory_space<vmem>>, vector<1x1xi32>
    %get3A_145 = vector.extract %get3A_144[0, 0] : i32 from vector<1x1xi32>
    %le3A_146 = arith.cmpi sle, %get3A_141, %get3A_15 : i32
    %ge3A_147 = arith.cmpi sge, %get3A_145, %get3A_11 : i32
    %and3A_148 = arith.andi %le3A_146, %ge3A_147 : i1
    %convert_element_type3A_149 = arith.extui %and3A_148 : i1 to i32
    %cond3A_150 = arith.constant 0 : i32
    %cond3A_151 = arith.cmpi ne, %convert_element_type3A_149, %cond3A_150 : i32
    %cond3A_152:4 = scf.if %cond3A_151 -> (vector<512x1xf32>, vector<512x1xi32>, vector<512x1xf32>, vector<512x1xi32>) {
      %get3A_173 = arith.constant 0 : index
      %get3A_174 = arith.constant 8192 : index
      %get3A_175 = vector.load %arg4[%get3A_173, %get3A_174] : memref<128x10240xf32, #tpu.memory_space<vmem>>, vector<128x1024xf32>
      %get3A_176 = arith.constant 0 : index
      %get3A_177 = arith.constant 8192 : index
      %get3A_178 = vector.load %arg5[%get3A_176, %get3A_177] : memref<1x10240xf32, #tpu.memory_space<vmem>>, vector<1x1024xf32>
      %add3A = vector.broadcast %get3A_4 : vector<512x1xf32> to vector<512x1024xf32>
      %add3A_179 = vector.broadcast %get3A_178 : vector<1x1024xf32> to vector<512x1024xf32>
      %add3A_180 = arith.addf %add3A, %add3A_179 : vector<512x1024xf32>
      %dot_general3A = arith.constant dense<0.000000e+00> : vector<512x1024xf32>
      %dot_general3A_181 = tpu.matmul %get3A_1, %get3A_175, %dot_general3A {dimension_numbers = #tpu.dot_dimension_numbers<[1], [0], [0], [1], [0, 0, 1, 1], [], []>, transpose_lhs_hint = false} : vector<512x128xf32>, vector<128x1024xf32>, vector<512x1024xf32> -> vector<512x1024xf32>
      %mul3A = arith.constant 2.000000e+00 : f32
      %mul3A_182 = vector.broadcast %mul3A : f32 to vector<512x1024xf32>
      %mul3A_183 = arith.mulf %mul3A_182, %dot_general3A_181 : vector<512x1024xf32>
      %sub3A = arith.subf %add3A_180, %mul3A_183 : vector<512x1024xf32>
      %get3A_184 = arith.constant 0 : index
      %get3A_185 = arith.constant 8192 : index
      %get3A_186 = vector.load %arg6[%get3A_184, %get3A_185] : memref<1x10240xi32, #tpu.memory_space<vmem>>, vector<1x1024xi32>
      %eq3A = vector.broadcast %get3A_7 : vector<512x1xi32> to vector<512x1024xi32>
      %eq3A_187 = vector.broadcast %get3A_186 : vector<1x1024xi32> to vector<512x1024xi32>
      %eq3A_188 = arith.cmpi eq, %eq3A, %eq3A_187 : vector<512x1024xi32>
      %neg3A = arith.constant 0.000000e+00 : f32
      %neg3A_189 = vector.broadcast %neg3A : f32 to vector<512x1024xf32>
      %neg3A_190 = arith.subf %neg3A_189, %sub3A : vector<512x1024xf32>
      %jit3A = arith.constant 0xFF800000 : f32
      %broadcast_in_dim3A_191 = vector.broadcast %jit3A : f32 to vector<512x1024xf32>
      %select_n3A = arith.select %eq3A_188, %neg3A_190, %broadcast_in_dim3A_191 : vector<512x1024xi1>, vector<512x1024xf32>
      %iota3A = tpu.iota {dimensions = array<i32: 1>} : vector<512x1024xi32>
      %add3A_192 = arith.constant 8192 : i32
      %add3A_193 = vector.broadcast %add3A_192 : i32 to vector<512x1024xi32>
      %add3A_194 = arith.addi %add3A_193, %iota3A : vector<512x1024xi32>
      %reduce_max3A = arith.constant dense<0xFF800000> : vector<512xf32>
      %reduce_max3A_195 = vector.multi_reduction <maximumf>, %select_n3A, %reduce_max3A [1] : vector<512x1024xf32> to vector<512xf32>
      %broadcast_in_dim3A_196 = vector.shape_cast %reduce_max3A_195 : vector<512xf32> to vector<512x1xf32>
      %eq3A_197 = vector.broadcast %broadcast_in_dim3A_196 : vector<512x1xf32> to vector<512x1024xf32>
      %eq3A_198 = arith.cmpf oeq, %select_n3A, %eq3A_197 : vector<512x1024xf32>
      %jit3A_199 = arith.constant 1073741824 : i32
      %broadcast_in_dim3A_200 = vector.broadcast %jit3A_199 : i32 to vector<512x1024xi32>
      %select_n3A_201 = arith.select %eq3A_198, %add3A_194, %broadcast_in_dim3A_200 : vector<512x1024xi1>, vector<512x1024xi32>
      %reduce_min3A = arith.constant dense<2147483647> : vector<512xi32>
      %reduce_min3A_202 = vector.multi_reduction <minsi>, %select_n3A_201, %reduce_min3A [1] : vector<512x1024xi32> to vector<512xi32>
      %broadcast_in_dim3A_203 = vector.shape_cast %reduce_min3A_202 : vector<512xi32> to vector<512x1xi32>
      %eq3A_204 = vector.broadcast %broadcast_in_dim3A_203 : vector<512x1xi32> to vector<512x1024xi32>
      %eq3A_205 = arith.cmpi eq, %add3A_194, %eq3A_204 : vector<512x1024xi32>
      %jit3A_206 = arith.constant 0xFF800000 : f32
      %broadcast_in_dim3A_207 = vector.broadcast %jit3A_206 : f32 to vector<512x1024xf32>
      %select_n3A_208 = arith.select %eq3A_205, %broadcast_in_dim3A_207, %select_n3A : vector<512x1024xi1>, vector<512x1024xf32>
      %reduce_max3A_209 = arith.constant dense<0xFF800000> : vector<512xf32>
      %reduce_max3A_210 = vector.multi_reduction <maximumf>, %select_n3A_208, %reduce_max3A_209 [1] : vector<512x1024xf32> to vector<512xf32>
      %broadcast_in_dim3A_211 = vector.shape_cast %reduce_max3A_210 : vector<512xf32> to vector<512x1xf32>
      %eq3A_212 = vector.broadcast %broadcast_in_dim3A_211 : vector<512x1xf32> to vector<512x1024xf32>
      %eq3A_213 = arith.cmpf oeq, %select_n3A_208, %eq3A_212 : vector<512x1024xf32>
      %ne3A = vector.broadcast %broadcast_in_dim3A_203 : vector<512x1xi32> to vector<512x1024xi32>
      %ne3A_214 = arith.cmpi ne, %add3A_194, %ne3A : vector<512x1024xi32>
      %and3A_215 = arith.andi %eq3A_213, %ne3A_214 : vector<512x1024xi1>
      %jit3A_216 = arith.constant 1073741824 : i32
      %broadcast_in_dim3A_217 = vector.broadcast %jit3A_216 : i32 to vector<512x1024xi32>
      %select_n3A_218 = arith.select %and3A_215, %add3A_194, %broadcast_in_dim3A_217 : vector<512x1024xi1>, vector<512x1024xi32>
      %reduce_min3A_219 = arith.constant dense<2147483647> : vector<512xi32>
      %reduce_min3A_220 = vector.multi_reduction <minsi>, %select_n3A_218, %reduce_min3A_219 [1] : vector<512x1024xi32> to vector<512xi32>
      %broadcast_in_dim3A_221 = vector.shape_cast %reduce_min3A_220 : vector<512xi32> to vector<512x1xi32>
      %gt3A = arith.cmpf ogt, %broadcast_in_dim3A_196, %cond3A_137#0 : vector<512x1xf32>
      %select_n3A_222 = arith.select %gt3A, %broadcast_in_dim3A_196, %cond3A_137#0 : vector<512x1xi1>, vector<512x1xf32>
      %select_n3A_223 = arith.select %gt3A, %broadcast_in_dim3A_203, %cond3A_137#1 : vector<512x1xi1>, vector<512x1xi32>
      %gt3A_224 = arith.cmpf ogt, %broadcast_in_dim3A_196, %cond3A_137#0 : vector<512x1xf32>
      %select_n3A_225 = arith.select %gt3A_224, %cond3A_137#0, %cond3A_137#2 : vector<512x1xi1>, vector<512x1xf32>
      %select_n3A_226 = arith.select %gt3A_224, %cond3A_137#1, %cond3A_137#3 : vector<512x1xi1>, vector<512x1xi32>
      %select_n3A_227 = arith.select %gt3A_224, %broadcast_in_dim3A_211, %broadcast_in_dim3A_196 : vector<512x1xi1>, vector<512x1xf32>
      %select_n3A_228 = arith.select %gt3A_224, %broadcast_in_dim3A_221, %broadcast_in_dim3A_203 : vector<512x1xi1>, vector<512x1xi32>
      %gt3A_229 = arith.cmpf ogt, %select_n3A_227, %select_n3A_225 : vector<512x1xf32>
      %select_n3A_230 = arith.select %gt3A_229, %select_n3A_227, %select_n3A_225 : vector<512x1xi1>, vector<512x1xf32>
      %select_n3A_231 = arith.select %gt3A_229, %select_n3A_228, %select_n3A_226 : vector<512x1xi1>, vector<512x1xi32>
      scf.yield %select_n3A_222, %select_n3A_223, %select_n3A_230, %select_n3A_231 : vector<512x1xf32>, vector<512x1xi32>, vector<512x1xf32>, vector<512x1xi32>
    } else {
      scf.yield %cond3A_137#0, %cond3A_137#1, %cond3A_137#2, %cond3A_137#3 : vector<512x1xf32>, vector<512x1xi32>, vector<512x1xf32>, vector<512x1xi32>
    }
    %get3A_153 = arith.constant 0 : index
    %get3A_154 = arith.constant 9216 : index
    %get3A_155 = vector.load %arg6[%get3A_153, %get3A_154] : memref<1x10240xi32, #tpu.memory_space<vmem>>, vector<1x1xi32>
    %get3A_156 = vector.extract %get3A_155[0, 0] : i32 from vector<1x1xi32>
    %get3A_157 = arith.constant 0 : index
    %get3A_158 = arith.constant 10239 : index
    %get3A_159 = vector.load %arg6[%get3A_157, %get3A_158] : memref<1x10240xi32, #tpu.memory_space<vmem>>, vector<1x1xi32>
    %get3A_160 = vector.extract %get3A_159[0, 0] : i32 from vector<1x1xi32>
    %le3A_161 = arith.cmpi sle, %get3A_156, %get3A_15 : i32
    %ge3A_162 = arith.cmpi sge, %get3A_160, %get3A_11 : i32
    %and3A_163 = arith.andi %le3A_161, %ge3A_162 : i1
    %convert_element_type3A_164 = arith.extui %and3A_163 : i1 to i32
    %cond3A_165 = arith.constant 0 : i32
    %cond3A_166 = arith.cmpi ne, %convert_element_type3A_164, %cond3A_165 : i32
    %cond3A_167:2 = scf.if %cond3A_166 -> (vector<512x1xi32>, vector<512x1xi32>) {
      %get3A_173 = arith.constant 0 : index
      %get3A_174 = arith.constant 9216 : index
      %get3A_175 = vector.load %arg4[%get3A_173, %get3A_174] : memref<128x10240xf32, #tpu.memory_space<vmem>>, vector<128x1024xf32>
      %get3A_176 = arith.constant 0 : index
      %get3A_177 = arith.constant 9216 : index
      %get3A_178 = vector.load %arg5[%get3A_176, %get3A_177] : memref<1x10240xf32, #tpu.memory_space<vmem>>, vector<1x1024xf32>
      %add3A = vector.broadcast %get3A_4 : vector<512x1xf32> to vector<512x1024xf32>
      %add3A_179 = vector.broadcast %get3A_178 : vector<1x1024xf32> to vector<512x1024xf32>
      %add3A_180 = arith.addf %add3A, %add3A_179 : vector<512x1024xf32>
      %dot_general3A = arith.constant dense<0.000000e+00> : vector<512x1024xf32>
      %dot_general3A_181 = tpu.matmul %get3A_1, %get3A_175, %dot_general3A {dimension_numbers = #tpu.dot_dimension_numbers<[1], [0], [0], [1], [0, 0, 1, 1], [], []>, transpose_lhs_hint = false} : vector<512x128xf32>, vector<128x1024xf32>, vector<512x1024xf32> -> vector<512x1024xf32>
      %mul3A = arith.constant 2.000000e+00 : f32
      %mul3A_182 = vector.broadcast %mul3A : f32 to vector<512x1024xf32>
      %mul3A_183 = arith.mulf %mul3A_182, %dot_general3A_181 : vector<512x1024xf32>
      %sub3A = arith.subf %add3A_180, %mul3A_183 : vector<512x1024xf32>
      %get3A_184 = arith.constant 0 : index
      %get3A_185 = arith.constant 9216 : index
      %get3A_186 = vector.load %arg6[%get3A_184, %get3A_185] : memref<1x10240xi32, #tpu.memory_space<vmem>>, vector<1x1024xi32>
      %eq3A = vector.broadcast %get3A_7 : vector<512x1xi32> to vector<512x1024xi32>
      %eq3A_187 = vector.broadcast %get3A_186 : vector<1x1024xi32> to vector<512x1024xi32>
      %eq3A_188 = arith.cmpi eq, %eq3A, %eq3A_187 : vector<512x1024xi32>
      %neg3A = arith.constant 0.000000e+00 : f32
      %neg3A_189 = vector.broadcast %neg3A : f32 to vector<512x1024xf32>
      %neg3A_190 = arith.subf %neg3A_189, %sub3A : vector<512x1024xf32>
      %jit3A = arith.constant 0xFF800000 : f32
      %broadcast_in_dim3A_191 = vector.broadcast %jit3A : f32 to vector<512x1024xf32>
      %select_n3A = arith.select %eq3A_188, %neg3A_190, %broadcast_in_dim3A_191 : vector<512x1024xi1>, vector<512x1024xf32>
      %iota3A = tpu.iota {dimensions = array<i32: 1>} : vector<512x1024xi32>
      %add3A_192 = arith.constant 9216 : i32
      %add3A_193 = vector.broadcast %add3A_192 : i32 to vector<512x1024xi32>
      %add3A_194 = arith.addi %add3A_193, %iota3A : vector<512x1024xi32>
      %reduce_max3A = arith.constant dense<0xFF800000> : vector<512xf32>
      %reduce_max3A_195 = vector.multi_reduction <maximumf>, %select_n3A, %reduce_max3A [1] : vector<512x1024xf32> to vector<512xf32>
      %broadcast_in_dim3A_196 = vector.shape_cast %reduce_max3A_195 : vector<512xf32> to vector<512x1xf32>
      %eq3A_197 = vector.broadcast %broadcast_in_dim3A_196 : vector<512x1xf32> to vector<512x1024xf32>
      %eq3A_198 = arith.cmpf oeq, %select_n3A, %eq3A_197 : vector<512x1024xf32>
      %jit3A_199 = arith.constant 1073741824 : i32
      %broadcast_in_dim3A_200 = vector.broadcast %jit3A_199 : i32 to vector<512x1024xi32>
      %select_n3A_201 = arith.select %eq3A_198, %add3A_194, %broadcast_in_dim3A_200 : vector<512x1024xi1>, vector<512x1024xi32>
      %reduce_min3A = arith.constant dense<2147483647> : vector<512xi32>
      %reduce_min3A_202 = vector.multi_reduction <minsi>, %select_n3A_201, %reduce_min3A [1] : vector<512x1024xi32> to vector<512xi32>
      %broadcast_in_dim3A_203 = vector.shape_cast %reduce_min3A_202 : vector<512xi32> to vector<512x1xi32>
      %eq3A_204 = vector.broadcast %broadcast_in_dim3A_203 : vector<512x1xi32> to vector<512x1024xi32>
      %eq3A_205 = arith.cmpi eq, %add3A_194, %eq3A_204 : vector<512x1024xi32>
      %jit3A_206 = arith.constant 0xFF800000 : f32
      %broadcast_in_dim3A_207 = vector.broadcast %jit3A_206 : f32 to vector<512x1024xf32>
      %select_n3A_208 = arith.select %eq3A_205, %broadcast_in_dim3A_207, %select_n3A : vector<512x1024xi1>, vector<512x1024xf32>
      %reduce_max3A_209 = arith.constant dense<0xFF800000> : vector<512xf32>
      %reduce_max3A_210 = vector.multi_reduction <maximumf>, %select_n3A_208, %reduce_max3A_209 [1] : vector<512x1024xf32> to vector<512xf32>
      %broadcast_in_dim3A_211 = vector.shape_cast %reduce_max3A_210 : vector<512xf32> to vector<512x1xf32>
      %eq3A_212 = vector.broadcast %broadcast_in_dim3A_211 : vector<512x1xf32> to vector<512x1024xf32>
      %eq3A_213 = arith.cmpf oeq, %select_n3A_208, %eq3A_212 : vector<512x1024xf32>
      %ne3A = vector.broadcast %broadcast_in_dim3A_203 : vector<512x1xi32> to vector<512x1024xi32>
      %ne3A_214 = arith.cmpi ne, %add3A_194, %ne3A : vector<512x1024xi32>
      %and3A_215 = arith.andi %eq3A_213, %ne3A_214 : vector<512x1024xi1>
      %jit3A_216 = arith.constant 1073741824 : i32
      %broadcast_in_dim3A_217 = vector.broadcast %jit3A_216 : i32 to vector<512x1024xi32>
      %select_n3A_218 = arith.select %and3A_215, %add3A_194, %broadcast_in_dim3A_217 : vector<512x1024xi1>, vector<512x1024xi32>
      %reduce_min3A_219 = arith.constant dense<2147483647> : vector<512xi32>
      %reduce_min3A_220 = vector.multi_reduction <minsi>, %select_n3A_218, %reduce_min3A_219 [1] : vector<512x1024xi32> to vector<512xi32>
      %broadcast_in_dim3A_221 = vector.shape_cast %reduce_min3A_220 : vector<512xi32> to vector<512x1xi32>
      %gt3A = arith.cmpf ogt, %broadcast_in_dim3A_196, %cond3A_152#0 : vector<512x1xf32>
      %select_n3A_222 = arith.select %gt3A, %broadcast_in_dim3A_203, %cond3A_152#1 : vector<512x1xi1>, vector<512x1xi32>
      %gt3A_223 = arith.cmpf ogt, %broadcast_in_dim3A_196, %cond3A_152#0 : vector<512x1xf32>
      %select_n3A_224 = arith.select %gt3A_223, %cond3A_152#0, %cond3A_152#2 : vector<512x1xi1>, vector<512x1xf32>
      %select_n3A_225 = arith.select %gt3A_223, %cond3A_152#1, %cond3A_152#3 : vector<512x1xi1>, vector<512x1xi32>
      %select_n3A_226 = arith.select %gt3A_223, %broadcast_in_dim3A_211, %broadcast_in_dim3A_196 : vector<512x1xi1>, vector<512x1xf32>
      %select_n3A_227 = arith.select %gt3A_223, %broadcast_in_dim3A_221, %broadcast_in_dim3A_203 : vector<512x1xi1>, vector<512x1xi32>
      %gt3A_228 = arith.cmpf ogt, %select_n3A_226, %select_n3A_224 : vector<512x1xf32>
      %select_n3A_229 = arith.select %gt3A_228, %select_n3A_227, %select_n3A_225 : vector<512x1xi1>, vector<512x1xi32>
      scf.yield %select_n3A_222, %select_n3A_229 : vector<512x1xi32>, vector<512x1xi32>
    } else {
      scf.yield %cond3A_152#1, %cond3A_152#3 : vector<512x1xi32>, vector<512x1xi32>
    }
    %swap3A = arith.constant 0 : index
    %swap3A_168 = arith.constant 0 : index
    %swap3A_169 = vector.load %arg7[%swap3A, %swap3A_168] : memref<512x1xi32, #tpu.memory_space<vmem>>, vector<512x1xi32>
    tpu.vector_store %arg7[%swap3A, %swap3A_168], %cond3A_167#0 {strides = array<i32>} : memref<512x1xi32, #tpu.memory_space<vmem>>, vector<512x1xi32>,
    %swap3A_170 = arith.constant 0 : index
    %swap3A_171 = arith.constant 0 : index
    %swap3A_172 = vector.load %arg8[%swap3A_170, %swap3A_171] : memref<512x1xi32, #tpu.memory_space<vmem>>, vector<512x1xi32>
    tpu.vector_store %arg8[%swap3A_170, %swap3A_171], %cond3A_167#1 {strides = array<i32>} : memref<512x1xi32, #tpu.memory_space<vmem>>, vector<512x1xi32>,
    return
  }
  func.func @transform_0(%arg0: i32) -> (i32, i32) {
    %c0_i32 = arith.constant 0 : i32
    %c0_i32_0 = arith.constant 0 : i32
    return %arg0, %c0_i32 : i32, i32
  }
  func.func @transform_1(%arg0: i32) -> (i32, i32) {
    %c0_i32 = arith.constant 0 : i32
    %c0_i32_0 = arith.constant 0 : i32
    return %arg0, %c0_i32 : i32, i32
  }
  func.func @transform_2(%arg0: i32) -> (i32, i32) {
    %c0_i32 = arith.constant 0 : i32
    %c0_i32_0 = arith.constant 0 : i32
    return %arg0, %c0_i32 : i32, i32
  }
  func.func @transform_3(%arg0: i32) -> (i32, i32) {
    %c0_i32 = arith.constant 0 : i32
    %c0_i32_0 = arith.constant 0 : i32
    %c0_i32_1 = arith.constant 0 : i32
    return %c0_i32, %c0_i32_0 : i32, i32
  }
  func.func @transform_4(%arg0: i32) -> (i32, i32) {
    %c0_i32 = arith.constant 0 : i32
    %c0_i32_0 = arith.constant 0 : i32
    %c0_i32_1 = arith.constant 0 : i32
    return %c0_i32, %c0_i32_0 : i32, i32
  }
  func.func @transform_5(%arg0: i32) -> (i32, i32) {
    %c0_i32 = arith.constant 0 : i32
    %c0_i32_0 = arith.constant 0 : i32
    %c0_i32_1 = arith.constant 0 : i32
    return %c0_i32, %c0_i32_0 : i32, i32
  }
  func.func @transform_6(%arg0: i32) -> (i32, i32) {
    %c0_i32 = arith.constant 0 : i32
    %c0_i32_0 = arith.constant 0 : i32
    return %arg0, %c0_i32 : i32, i32
  }
  func.func @transform_7(%arg0: i32) -> (i32, i32) {
    %c0_i32 = arith.constant 0 : i32
    %c0_i32_0 = arith.constant 0 : i32
    return %arg0, %c0_i32 : i32, i32
  }
}

module attributes {stable_mosaic.version = 14 : i64} {
  func.func @_edge_body(%arg0: i32, %arg1: memref<512x128xf32, #tpu.memory_space<vmem>>, %arg2: memref<512x128xf32, #tpu.memory_space<vmem>>, %arg3: memref<512x128xf32, #tpu.memory_space<vmem>>, %arg4: memref<512x1xi32, #tpu.memory_space<vmem>>, %arg5: memref<256x128xf32, #tpu.memory_space<vmem>>, %arg6: memref<1x128xf32, #tpu.memory_space<vmem>>, %arg7: memref<1x128xf32, #tpu.memory_space<vmem>>, %arg8: memref<1x128xf32, #tpu.memory_space<vmem>>, %arg9: memref<1x128xf32, #tpu.memory_space<vmem>>, %arg10: memref<1x128xf32, #tpu.memory_space<vmem>>, %arg11: memref<128x128xf32, #tpu.memory_space<vmem>>, %arg12: memref<1x128xf32, #tpu.memory_space<vmem>>, %arg13: memref<128x128xf32, #tpu.memory_space<vmem>>, %arg14: memref<1x128xf32, #tpu.memory_space<vmem>>, %arg15: memref<128x128xf32, #tpu.memory_space<vmem>>, %arg16: memref<1x128xf32, #tpu.memory_space<vmem>>, %arg17: memref<16x128xf32, #tpu.memory_space<vmem>>, %arg18: memref<16x128xf32, #tpu.memory_space<vmem>>) attributes {dimension_semantics = [#tpu.dimension_semantics<arbitrary>], iteration_bounds = array<i64: 20>, scalar_prefetch = 0 : i64, scratch_operands = 1 : i64, tpu.core_type = #tpu.core_type<tc>, window_params = [{transform_indices = @transform_0, window_bounds = array<i64: 512, 128>}, {transform_indices = @transform_1, window_bounds = array<i64: 512, 128>}, {transform_indices = @transform_2, window_bounds = array<i64: 512, 128>}, {transform_indices = @transform_3, window_bounds = array<i64: 512, 1>}, {pipeline_mode = #tpu.pipeline_mode<synchronous>, transform_indices = @transform_4, window_bounds = array<i64: 256, 128>}, {pipeline_mode = #tpu.pipeline_mode<synchronous>, transform_indices = @transform_5, window_bounds = array<i64: 1, 128>}, {pipeline_mode = #tpu.pipeline_mode<synchronous>, transform_indices = @transform_6, window_bounds = array<i64: 1, 128>}, {pipeline_mode = #tpu.pipeline_mode<synchronous>, transform_indices = @transform_7, window_bounds = array<i64: 1, 128>}, {pipeline_mode = #tpu.pipeline_mode<synchronous>, transform_indices = @transform_8, window_bounds = array<i64: 1, 128>}, {pipeline_mode = #tpu.pipeline_mode<synchronous>, transform_indices = @transform_9, window_bounds = array<i64: 1, 128>}, {pipeline_mode = #tpu.pipeline_mode<synchronous>, transform_indices = @transform_10, window_bounds = array<i64: 128, 128>}, {pipeline_mode = #tpu.pipeline_mode<synchronous>, transform_indices = @transform_11, window_bounds = array<i64: 1, 128>}, {pipeline_mode = #tpu.pipeline_mode<synchronous>, transform_indices = @transform_12, window_bounds = array<i64: 128, 128>}, {pipeline_mode = #tpu.pipeline_mode<synchronous>, transform_indices = @transform_13, window_bounds = array<i64: 1, 128>}, {pipeline_mode = #tpu.pipeline_mode<synchronous>, transform_indices = @transform_14, window_bounds = array<i64: 128, 128>}, {pipeline_mode = #tpu.pipeline_mode<synchronous>, transform_indices = @transform_15, window_bounds = array<i64: 1, 128>}, {pipeline_mode = #tpu.pipeline_mode<synchronous>, transform_indices = @transform_16, window_bounds = array<i64: 16, 128>}]} {
    %eq3A = arith.constant 0 : i32
    %eq3A_0 = arith.cmpi eq, %arg0, %eq3A : i32
    %convert_element_type3A = arith.extui %eq3A_0 : i1 to i32
    %cond3A = arith.constant 0 : i32
    %cond3A_1 = arith.cmpi ne, %convert_element_type3A, %cond3A : i32
    scf.if %cond3A_1 {
      %broadcast_in_dim3A_386 = arith.constant 0xFF800000 : f32
      %broadcast_in_dim3A_387 = vector.broadcast %broadcast_in_dim3A_386 : f32 to vector<16x128xf32>
      %swap3A_388 = arith.constant 0 : index
      %swap3A_389 = arith.constant 0 : index
      %swap3A_390 = vector.load %arg18[%swap3A_388, %swap3A_389] : memref<16x128xf32, #tpu.memory_space<vmem>>, vector<16x128xf32>
      tpu.vector_store %arg18[%swap3A_388, %swap3A_389], %broadcast_in_dim3A_387 {strides = array<i32>} : memref<16x128xf32, #tpu.memory_space<vmem>>, vector<16x128xf32>,
    } else {
    }
    %get3A = arith.constant 0 : index
    %get3A_2 = arith.constant 0 : index
    %get3A_3 = vector.load %arg1[%get3A, %get3A_2] : memref<512x128xf32, #tpu.memory_space<vmem>>, vector<512x128xf32>
    %get3A_4 = arith.constant 0 : index
    %get3A_5 = arith.constant 0 : index
    %get3A_6 = vector.load %arg5[%get3A_4, %get3A_5] : memref<256x128xf32, #tpu.memory_space<vmem>>, vector<128x128xf32>
    %dot_general3A = arith.constant dense<0.000000e+00> : vector<512x128xf32>
    %dot_general3A_7 = tpu.matmul %get3A_3, %get3A_6, %dot_general3A {dimension_numbers = #tpu.dot_dimension_numbers<[1], [0], [0], [1], [0, 0, 1, 1], [], []>, transpose_lhs_hint = false} : vector<512x128xf32>, vector<128x128xf32>, vector<512x128xf32> -> vector<512x128xf32>
    %get3A_8 = arith.constant 0 : index
    %get3A_9 = arith.constant 0 : index
    %get3A_10 = vector.load %arg6[%get3A_8, %get3A_9] : memref<1x128xf32, #tpu.memory_space<vmem>>, vector<1x128xf32>
    %add3A = vector.broadcast %get3A_10 : vector<1x128xf32> to vector<512x128xf32>
    %add3A_11 = arith.addf %dot_general3A_7, %add3A : vector<512x128xf32>
    %get3A_12 = arith.constant 128 : index
    %get3A_13 = arith.constant 0 : index
    %get3A_14 = vector.load %arg5[%get3A_12, %get3A_13] : memref<256x128xf32, #tpu.memory_space<vmem>>, vector<128x128xf32>
    %get3A_15 = arith.constant 0 : index
    %get3A_16 = arith.constant 0 : index
    %get3A_17 = vector.load %arg10[%get3A_15, %get3A_16] : memref<1x128xf32, #tpu.memory_space<vmem>>, vector<1x128xf32>
    %add3A_18 = arith.constant 9.99999974E-6 : f32
    %add3A_19 = vector.broadcast %add3A_18 : f32 to vector<1x128xf32>
    %add3A_20 = arith.addf %get3A_17, %add3A_19 : vector<1x128xf32>
    %sqrt3A = math.sqrt %add3A_20 : vector<1x128xf32>
    %div3A = arith.constant 1.000000e+00 : f32
    %div3A_21 = vector.broadcast %div3A : f32 to vector<1x128xf32>
    %div3A_22 = arith.divf %div3A_21, %sqrt3A : vector<1x128xf32>
    %get3A_23 = arith.constant 0 : index
    %get3A_24 = arith.constant 0 : index
    %get3A_25 = vector.load %arg2[%get3A_23, %get3A_24] : memref<512x128xf32, #tpu.memory_space<vmem>>, vector<512x128xf32>
    %sub3A = arith.subf %get3A_25, %get3A_3 : vector<512x128xf32>
    %dot_general3A_26 = arith.constant dense<0.000000e+00> : vector<512x128xf32>
    %dot_general3A_27 = tpu.matmul %sub3A, %get3A_14, %dot_general3A_26 {dimension_numbers = #tpu.dot_dimension_numbers<[1], [0], [0], [1], [0, 0, 1, 1], [], []>, transpose_lhs_hint = false} : vector<512x128xf32>, vector<128x128xf32>, vector<512x128xf32> -> vector<512x128xf32>
    %add3A_28 = arith.addf %add3A_11, %dot_general3A_27 : vector<512x128xf32>
    %max3A = arith.constant 0.000000e+00 : f32
    %max3A_29 = vector.broadcast %max3A : f32 to vector<512x128xf32>
    %max3A_30 = arith.maximumf %add3A_28, %max3A_29 : vector<512x128xf32>
    %get3A_31 = arith.constant 0 : index
    %get3A_32 = arith.constant 0 : index
    %get3A_33 = vector.load %arg9[%get3A_31, %get3A_32] : memref<1x128xf32, #tpu.memory_space<vmem>>, vector<1x128xf32>
    %sub3A_34 = vector.broadcast %get3A_33 : vector<1x128xf32> to vector<512x128xf32>
    %sub3A_35 = arith.subf %max3A_30, %sub3A_34 : vector<512x128xf32>
    %mul3A = vector.broadcast %div3A_22 : vector<1x128xf32> to vector<512x128xf32>
    %mul3A_36 = arith.mulf %sub3A_35, %mul3A : vector<512x128xf32>
    %get3A_37 = arith.constant 0 : index
    %get3A_38 = arith.constant 0 : index
    %get3A_39 = vector.load %arg7[%get3A_37, %get3A_38] : memref<1x128xf32, #tpu.memory_space<vmem>>, vector<1x128xf32>
    %mul3A_40 = vector.broadcast %get3A_39 : vector<1x128xf32> to vector<512x128xf32>
    %mul3A_41 = arith.mulf %mul3A_36, %mul3A_40 : vector<512x128xf32>
    %get3A_42 = arith.constant 0 : index
    %get3A_43 = arith.constant 0 : index
    %get3A_44 = vector.load %arg8[%get3A_42, %get3A_43] : memref<1x128xf32, #tpu.memory_space<vmem>>, vector<1x128xf32>
    %add3A_45 = vector.broadcast %get3A_44 : vector<1x128xf32> to vector<512x128xf32>
    %add3A_46 = arith.addf %mul3A_41, %add3A_45 : vector<512x128xf32>
    %get3A_47 = arith.constant 0 : index
    %get3A_48 = arith.constant 0 : index
    %get3A_49 = vector.load %arg11[%get3A_47, %get3A_48] : memref<128x128xf32, #tpu.memory_space<vmem>>, vector<128x128xf32>
    %dot_general3A_50 = arith.constant dense<0.000000e+00> : vector<512x128xf32>
    %dot_general3A_51 = tpu.matmul %add3A_46, %get3A_49, %dot_general3A_50 {dimension_numbers = #tpu.dot_dimension_numbers<[1], [0], [0], [1], [0, 0, 1, 1], [], []>, transpose_lhs_hint = false} : vector<512x128xf32>, vector<128x128xf32>, vector<512x128xf32> -> vector<512x128xf32>
    %get3A_52 = arith.constant 0 : index
    %get3A_53 = arith.constant 0 : index
    %get3A_54 = vector.load %arg12[%get3A_52, %get3A_53] : memref<1x128xf32, #tpu.memory_space<vmem>>, vector<1x128xf32>
    %add3A_55 = vector.broadcast %get3A_54 : vector<1x128xf32> to vector<512x128xf32>
    %add3A_56 = arith.addf %dot_general3A_51, %add3A_55 : vector<512x128xf32>
    %get3A_57 = arith.constant 0 : index
    %get3A_58 = arith.constant 0 : index
    %get3A_59 = vector.load %arg3[%get3A_57, %get3A_58] : memref<512x128xf32, #tpu.memory_space<vmem>>, vector<512x128xf32>
    %sub3A_60 = arith.subf %get3A_59, %get3A_3 : vector<512x128xf32>
    %dot_general3A_61 = arith.constant dense<0.000000e+00> : vector<512x128xf32>
    %dot_general3A_62 = tpu.matmul %sub3A_60, %get3A_14, %dot_general3A_61 {dimension_numbers = #tpu.dot_dimension_numbers<[1], [0], [0], [1], [0, 0, 1, 1], [], []>, transpose_lhs_hint = false} : vector<512x128xf32>, vector<128x128xf32>, vector<512x128xf32> -> vector<512x128xf32>
    %add3A_63 = arith.addf %add3A_11, %dot_general3A_62 : vector<512x128xf32>
    %max3A_64 = arith.constant 0.000000e+00 : f32
    %max3A_65 = vector.broadcast %max3A_64 : f32 to vector<512x128xf32>
    %max3A_66 = arith.maximumf %add3A_63, %max3A_65 : vector<512x128xf32>
    %get3A_67 = arith.constant 0 : index
    %get3A_68 = arith.constant 0 : index
    %get3A_69 = vector.load %arg9[%get3A_67, %get3A_68] : memref<1x128xf32, #tpu.memory_space<vmem>>, vector<1x128xf32>
    %sub3A_70 = vector.broadcast %get3A_69 : vector<1x128xf32> to vector<512x128xf32>
    %sub3A_71 = arith.subf %max3A_66, %sub3A_70 : vector<512x128xf32>
    %mul3A_72 = vector.broadcast %div3A_22 : vector<1x128xf32> to vector<512x128xf32>
    %mul3A_73 = arith.mulf %sub3A_71, %mul3A_72 : vector<512x128xf32>
    %get3A_74 = arith.constant 0 : index
    %get3A_75 = arith.constant 0 : index
    %get3A_76 = vector.load %arg7[%get3A_74, %get3A_75] : memref<1x128xf32, #tpu.memory_space<vmem>>, vector<1x128xf32>
    %mul3A_77 = vector.broadcast %get3A_76 : vector<1x128xf32> to vector<512x128xf32>
    %mul3A_78 = arith.mulf %mul3A_73, %mul3A_77 : vector<512x128xf32>
    %get3A_79 = arith.constant 0 : index
    %get3A_80 = arith.constant 0 : index
    %get3A_81 = vector.load %arg8[%get3A_79, %get3A_80] : memref<1x128xf32, #tpu.memory_space<vmem>>, vector<1x128xf32>
    %add3A_82 = vector.broadcast %get3A_81 : vector<1x128xf32> to vector<512x128xf32>
    %add3A_83 = arith.addf %mul3A_78, %add3A_82 : vector<512x128xf32>
    %get3A_84 = arith.constant 0 : index
    %get3A_85 = arith.constant 0 : index
    %get3A_86 = vector.load %arg11[%get3A_84, %get3A_85] : memref<128x128xf32, #tpu.memory_space<vmem>>, vector<128x128xf32>
    %dot_general3A_87 = arith.constant dense<0.000000e+00> : vector<512x128xf32>
    %dot_general3A_88 = tpu.matmul %add3A_83, %get3A_86, %dot_general3A_87 {dimension_numbers = #tpu.dot_dimension_numbers<[1], [0], [0], [1], [0, 0, 1, 1], [], []>, transpose_lhs_hint = false} : vector<512x128xf32>, vector<128x128xf32>, vector<512x128xf32> -> vector<512x128xf32>
    %get3A_89 = arith.constant 0 : index
    %get3A_90 = arith.constant 0 : index
    %get3A_91 = vector.load %arg12[%get3A_89, %get3A_90] : memref<1x128xf32, #tpu.memory_space<vmem>>, vector<1x128xf32>
    %add3A_92 = vector.broadcast %get3A_91 : vector<1x128xf32> to vector<512x128xf32>
    %add3A_93 = arith.addf %dot_general3A_88, %add3A_92 : vector<512x128xf32>
    %max3A_94 = arith.maximumf %add3A_56, %add3A_93 : vector<512x128xf32>
    %get3A_95 = arith.constant 0 : index
    %get3A_96 = arith.constant 0 : index
    %get3A_97 = vector.load %arg4[%get3A_95, %get3A_96] : memref<512x1xi32, #tpu.memory_space<vmem>>, vector<512x1xi32>
    %eq3A_98 = arith.constant 0 : i32
    %eq3A_99 = vector.broadcast %eq3A_98 : i32 to vector<512x1xi32>
    %eq3A_100 = arith.cmpi eq, %get3A_97, %eq3A_99 : vector<512x1xi32>
    %jit3A = arith.constant 0xFF800000 : f32
    %broadcast_in_dim3A = vector.shape_cast %eq3A_100 : vector<512x1xi1> to vector<512x1xi1>
    %broadcast_in_dim3A_101 = vector.broadcast %broadcast_in_dim3A : vector<512x1xi1> to vector<512x128xi1>
    %broadcast_in_dim3A_102 = vector.broadcast %jit3A : f32 to vector<512x128xf32>
    %select_n3A = arith.select %broadcast_in_dim3A_101, %max3A_94, %broadcast_in_dim3A_102 : vector<512x128xi1>, vector<512x128xf32>
    %reduce_max3A = arith.constant dense<0xFF800000> : vector<128xf32>
    %reduce_max3A_103 = vector.multi_reduction <maximumf>, %select_n3A, %reduce_max3A [0] : vector<512x128xf32> to vector<128xf32>
    %broadcast_in_dim3A_104 = vector.shape_cast %reduce_max3A_103 : vector<128xf32> to vector<1x128xf32>
    %get3A_105 = arith.constant 0 : index
    %get3A_106 = arith.constant 0 : index
    %get3A_107 = vector.load %arg18[%get3A_105, %get3A_106] : memref<16x128xf32, #tpu.memory_space<vmem>>, vector<1x128xf32>
    %max3A_108 = arith.maximumf %get3A_107, %broadcast_in_dim3A_104 : vector<1x128xf32>
    %swap3A = arith.constant 0 : index
    %swap3A_109 = arith.constant 0 : index
    %swap3A_110 = vector.load %arg18[%swap3A, %swap3A_109] : memref<16x128xf32, #tpu.memory_space<vmem>>, vector<1x128xf32>
    tpu.vector_store %arg18[%swap3A, %swap3A_109], %max3A_108 {strides = array<i32>} : memref<16x128xf32, #tpu.memory_space<vmem>>, vector<1x128xf32>,
    %eq3A_111 = arith.constant 1 : i32
    %eq3A_112 = vector.broadcast %eq3A_111 : i32 to vector<512x1xi32>
    %eq3A_113 = arith.cmpi eq, %get3A_97, %eq3A_112 : vector<512x1xi32>
    %jit3A_114 = arith.constant 0xFF800000 : f32
    %broadcast_in_dim3A_115 = vector.shape_cast %eq3A_113 : vector<512x1xi1> to vector<512x1xi1>
    %broadcast_in_dim3A_116 = vector.broadcast %broadcast_in_dim3A_115 : vector<512x1xi1> to vector<512x128xi1>
    %broadcast_in_dim3A_117 = vector.broadcast %jit3A_114 : f32 to vector<512x128xf32>
    %select_n3A_118 = arith.select %broadcast_in_dim3A_116, %max3A_94, %broadcast_in_dim3A_117 : vector<512x128xi1>, vector<512x128xf32>
    %reduce_max3A_119 = arith.constant dense<0xFF800000> : vector<128xf32>
    %reduce_max3A_120 = vector.multi_reduction <maximumf>, %select_n3A_118, %reduce_max3A_119 [0] : vector<512x128xf32> to vector<128xf32>
    %broadcast_in_dim3A_121 = vector.shape_cast %reduce_max3A_120 : vector<128xf32> to vector<1x128xf32>
    %get3A_122 = arith.constant 1 : index
    %get3A_123 = arith.constant 0 : index
    %get3A_124 = vector.load %arg18[%get3A_122, %get3A_123] : memref<16x128xf32, #tpu.memory_space<vmem>>, vector<1x128xf32>
    %max3A_125 = arith.maximumf %get3A_124, %broadcast_in_dim3A_121 : vector<1x128xf32>
    %swap3A_126 = arith.constant 1 : index
    %swap3A_127 = arith.constant 0 : index
    %swap3A_128 = vector.load %arg18[%swap3A_126, %swap3A_127] : memref<16x128xf32, #tpu.memory_space<vmem>>, vector<1x128xf32>
    tpu.vector_store %arg18[%swap3A_126, %swap3A_127], %max3A_125 {strides = array<i32>} : memref<16x128xf32, #tpu.memory_space<vmem>>, vector<1x128xf32>,
    %eq3A_129 = arith.constant 2 : i32
    %eq3A_130 = vector.broadcast %eq3A_129 : i32 to vector<512x1xi32>
    %eq3A_131 = arith.cmpi eq, %get3A_97, %eq3A_130 : vector<512x1xi32>
    %jit3A_132 = arith.constant 0xFF800000 : f32
    %broadcast_in_dim3A_133 = vector.shape_cast %eq3A_131 : vector<512x1xi1> to vector<512x1xi1>
    %broadcast_in_dim3A_134 = vector.broadcast %broadcast_in_dim3A_133 : vector<512x1xi1> to vector<512x128xi1>
    %broadcast_in_dim3A_135 = vector.broadcast %jit3A_132 : f32 to vector<512x128xf32>
    %select_n3A_136 = arith.select %broadcast_in_dim3A_134, %max3A_94, %broadcast_in_dim3A_135 : vector<512x128xi1>, vector<512x128xf32>
    %reduce_max3A_137 = arith.constant dense<0xFF800000> : vector<128xf32>
    %reduce_max3A_138 = vector.multi_reduction <maximumf>, %select_n3A_136, %reduce_max3A_137 [0] : vector<512x128xf32> to vector<128xf32>
    %broadcast_in_dim3A_139 = vector.shape_cast %reduce_max3A_138 : vector<128xf32> to vector<1x128xf32>
    %get3A_140 = arith.constant 2 : index
    %get3A_141 = arith.constant 0 : index
    %get3A_142 = vector.load %arg18[%get3A_140, %get3A_141] : memref<16x128xf32, #tpu.memory_space<vmem>>, vector<1x128xf32>
    %max3A_143 = arith.maximumf %get3A_142, %broadcast_in_dim3A_139 : vector<1x128xf32>
    %swap3A_144 = arith.constant 2 : index
    %swap3A_145 = arith.constant 0 : index
    %swap3A_146 = vector.load %arg18[%swap3A_144, %swap3A_145] : memref<16x128xf32, #tpu.memory_space<vmem>>, vector<1x128xf32>
    tpu.vector_store %arg18[%swap3A_144, %swap3A_145], %max3A_143 {strides = array<i32>} : memref<16x128xf32, #tpu.memory_space<vmem>>, vector<1x128xf32>,
    %eq3A_147 = arith.constant 3 : i32
    %eq3A_148 = vector.broadcast %eq3A_147 : i32 to vector<512x1xi32>
    %eq3A_149 = arith.cmpi eq, %get3A_97, %eq3A_148 : vector<512x1xi32>
    %jit3A_150 = arith.constant 0xFF800000 : f32
    %broadcast_in_dim3A_151 = vector.shape_cast %eq3A_149 : vector<512x1xi1> to vector<512x1xi1>
    %broadcast_in_dim3A_152 = vector.broadcast %broadcast_in_dim3A_151 : vector<512x1xi1> to vector<512x128xi1>
    %broadcast_in_dim3A_153 = vector.broadcast %jit3A_150 : f32 to vector<512x128xf32>
    %select_n3A_154 = arith.select %broadcast_in_dim3A_152, %max3A_94, %broadcast_in_dim3A_153 : vector<512x128xi1>, vector<512x128xf32>
    %reduce_max3A_155 = arith.constant dense<0xFF800000> : vector<128xf32>
    %reduce_max3A_156 = vector.multi_reduction <maximumf>, %select_n3A_154, %reduce_max3A_155 [0] : vector<512x128xf32> to vector<128xf32>
    %broadcast_in_dim3A_157 = vector.shape_cast %reduce_max3A_156 : vector<128xf32> to vector<1x128xf32>
    %get3A_158 = arith.constant 3 : index
    %get3A_159 = arith.constant 0 : index
    %get3A_160 = vector.load %arg18[%get3A_158, %get3A_159] : memref<16x128xf32, #tpu.memory_space<vmem>>, vector<1x128xf32>
    %max3A_161 = arith.maximumf %get3A_160, %broadcast_in_dim3A_157 : vector<1x128xf32>
    %swap3A_162 = arith.constant 3 : index
    %swap3A_163 = arith.constant 0 : index
    %swap3A_164 = vector.load %arg18[%swap3A_162, %swap3A_163] : memref<16x128xf32, #tpu.memory_space<vmem>>, vector<1x128xf32>
    tpu.vector_store %arg18[%swap3A_162, %swap3A_163], %max3A_161 {strides = array<i32>} : memref<16x128xf32, #tpu.memory_space<vmem>>, vector<1x128xf32>,
    %eq3A_165 = arith.constant 4 : i32
    %eq3A_166 = vector.broadcast %eq3A_165 : i32 to vector<512x1xi32>
    %eq3A_167 = arith.cmpi eq, %get3A_97, %eq3A_166 : vector<512x1xi32>
    %jit3A_168 = arith.constant 0xFF800000 : f32
    %broadcast_in_dim3A_169 = vector.shape_cast %eq3A_167 : vector<512x1xi1> to vector<512x1xi1>
    %broadcast_in_dim3A_170 = vector.broadcast %broadcast_in_dim3A_169 : vector<512x1xi1> to vector<512x128xi1>
    %broadcast_in_dim3A_171 = vector.broadcast %jit3A_168 : f32 to vector<512x128xf32>
    %select_n3A_172 = arith.select %broadcast_in_dim3A_170, %max3A_94, %broadcast_in_dim3A_171 : vector<512x128xi1>, vector<512x128xf32>
    %reduce_max3A_173 = arith.constant dense<0xFF800000> : vector<128xf32>
    %reduce_max3A_174 = vector.multi_reduction <maximumf>, %select_n3A_172, %reduce_max3A_173 [0] : vector<512x128xf32> to vector<128xf32>
    %broadcast_in_dim3A_175 = vector.shape_cast %reduce_max3A_174 : vector<128xf32> to vector<1x128xf32>
    %get3A_176 = arith.constant 4 : index
    %get3A_177 = arith.constant 0 : index
    %get3A_178 = vector.load %arg18[%get3A_176, %get3A_177] : memref<16x128xf32, #tpu.memory_space<vmem>>, vector<1x128xf32>
    %max3A_179 = arith.maximumf %get3A_178, %broadcast_in_dim3A_175 : vector<1x128xf32>
    %swap3A_180 = arith.constant 4 : index
    %swap3A_181 = arith.constant 0 : index
    %swap3A_182 = vector.load %arg18[%swap3A_180, %swap3A_181] : memref<16x128xf32, #tpu.memory_space<vmem>>, vector<1x128xf32>
    tpu.vector_store %arg18[%swap3A_180, %swap3A_181], %max3A_179 {strides = array<i32>} : memref<16x128xf32, #tpu.memory_space<vmem>>, vector<1x128xf32>,
    %eq3A_183 = arith.constant 5 : i32
    %eq3A_184 = vector.broadcast %eq3A_183 : i32 to vector<512x1xi32>
    %eq3A_185 = arith.cmpi eq, %get3A_97, %eq3A_184 : vector<512x1xi32>
    %jit3A_186 = arith.constant 0xFF800000 : f32
    %broadcast_in_dim3A_187 = vector.shape_cast %eq3A_185 : vector<512x1xi1> to vector<512x1xi1>
    %broadcast_in_dim3A_188 = vector.broadcast %broadcast_in_dim3A_187 : vector<512x1xi1> to vector<512x128xi1>
    %broadcast_in_dim3A_189 = vector.broadcast %jit3A_186 : f32 to vector<512x128xf32>
    %select_n3A_190 = arith.select %broadcast_in_dim3A_188, %max3A_94, %broadcast_in_dim3A_189 : vector<512x128xi1>, vector<512x128xf32>
    %reduce_max3A_191 = arith.constant dense<0xFF800000> : vector<128xf32>
    %reduce_max3A_192 = vector.multi_reduction <maximumf>, %select_n3A_190, %reduce_max3A_191 [0] : vector<512x128xf32> to vector<128xf32>
    %broadcast_in_dim3A_193 = vector.shape_cast %reduce_max3A_192 : vector<128xf32> to vector<1x128xf32>
    %get3A_194 = arith.constant 5 : index
    %get3A_195 = arith.constant 0 : index
    %get3A_196 = vector.load %arg18[%get3A_194, %get3A_195] : memref<16x128xf32, #tpu.memory_space<vmem>>, vector<1x128xf32>
    %max3A_197 = arith.maximumf %get3A_196, %broadcast_in_dim3A_193 : vector<1x128xf32>
    %swap3A_198 = arith.constant 5 : index
    %swap3A_199 = arith.constant 0 : index
    %swap3A_200 = vector.load %arg18[%swap3A_198, %swap3A_199] : memref<16x128xf32, #tpu.memory_space<vmem>>, vector<1x128xf32>
    tpu.vector_store %arg18[%swap3A_198, %swap3A_199], %max3A_197 {strides = array<i32>} : memref<16x128xf32, #tpu.memory_space<vmem>>, vector<1x128xf32>,
    %eq3A_201 = arith.constant 6 : i32
    %eq3A_202 = vector.broadcast %eq3A_201 : i32 to vector<512x1xi32>
    %eq3A_203 = arith.cmpi eq, %get3A_97, %eq3A_202 : vector<512x1xi32>
    %jit3A_204 = arith.constant 0xFF800000 : f32
    %broadcast_in_dim3A_205 = vector.shape_cast %eq3A_203 : vector<512x1xi1> to vector<512x1xi1>
    %broadcast_in_dim3A_206 = vector.broadcast %broadcast_in_dim3A_205 : vector<512x1xi1> to vector<512x128xi1>
    %broadcast_in_dim3A_207 = vector.broadcast %jit3A_204 : f32 to vector<512x128xf32>
    %select_n3A_208 = arith.select %broadcast_in_dim3A_206, %max3A_94, %broadcast_in_dim3A_207 : vector<512x128xi1>, vector<512x128xf32>
    %reduce_max3A_209 = arith.constant dense<0xFF800000> : vector<128xf32>
    %reduce_max3A_210 = vector.multi_reduction <maximumf>, %select_n3A_208, %reduce_max3A_209 [0] : vector<512x128xf32> to vector<128xf32>
    %broadcast_in_dim3A_211 = vector.shape_cast %reduce_max3A_210 : vector<128xf32> to vector<1x128xf32>
    %get3A_212 = arith.constant 6 : index
    %get3A_213 = arith.constant 0 : index
    %get3A_214 = vector.load %arg18[%get3A_212, %get3A_213] : memref<16x128xf32, #tpu.memory_space<vmem>>, vector<1x128xf32>
    %max3A_215 = arith.maximumf %get3A_214, %broadcast_in_dim3A_211 : vector<1x128xf32>
    %swap3A_216 = arith.constant 6 : index
    %swap3A_217 = arith.constant 0 : index
    %swap3A_218 = vector.load %arg18[%swap3A_216, %swap3A_217] : memref<16x128xf32, #tpu.memory_space<vmem>>, vector<1x128xf32>
    tpu.vector_store %arg18[%swap3A_216, %swap3A_217], %max3A_215 {strides = array<i32>} : memref<16x128xf32, #tpu.memory_space<vmem>>, vector<1x128xf32>,
    %eq3A_219 = arith.constant 7 : i32
    %eq3A_220 = vector.broadcast %eq3A_219 : i32 to vector<512x1xi32>
    %eq3A_221 = arith.cmpi eq, %get3A_97, %eq3A_220 : vector<512x1xi32>
    %jit3A_222 = arith.constant 0xFF800000 : f32
    %broadcast_in_dim3A_223 = vector.shape_cast %eq3A_221 : vector<512x1xi1> to vector<512x1xi1>
    %broadcast_in_dim3A_224 = vector.broadcast %broadcast_in_dim3A_223 : vector<512x1xi1> to vector<512x128xi1>
    %broadcast_in_dim3A_225 = vector.broadcast %jit3A_222 : f32 to vector<512x128xf32>
    %select_n3A_226 = arith.select %broadcast_in_dim3A_224, %max3A_94, %broadcast_in_dim3A_225 : vector<512x128xi1>, vector<512x128xf32>
    %reduce_max3A_227 = arith.constant dense<0xFF800000> : vector<128xf32>
    %reduce_max3A_228 = vector.multi_reduction <maximumf>, %select_n3A_226, %reduce_max3A_227 [0] : vector<512x128xf32> to vector<128xf32>
    %broadcast_in_dim3A_229 = vector.shape_cast %reduce_max3A_228 : vector<128xf32> to vector<1x128xf32>
    %get3A_230 = arith.constant 7 : index
    %get3A_231 = arith.constant 0 : index
    %get3A_232 = vector.load %arg18[%get3A_230, %get3A_231] : memref<16x128xf32, #tpu.memory_space<vmem>>, vector<1x128xf32>
    %max3A_233 = arith.maximumf %get3A_232, %broadcast_in_dim3A_229 : vector<1x128xf32>
    %swap3A_234 = arith.constant 7 : index
    %swap3A_235 = arith.constant 0 : index
    %swap3A_236 = vector.load %arg18[%swap3A_234, %swap3A_235] : memref<16x128xf32, #tpu.memory_space<vmem>>, vector<1x128xf32>
    tpu.vector_store %arg18[%swap3A_234, %swap3A_235], %max3A_233 {strides = array<i32>} : memref<16x128xf32, #tpu.memory_space<vmem>>, vector<1x128xf32>,
    %eq3A_237 = arith.constant 8 : i32
    %eq3A_238 = vector.broadcast %eq3A_237 : i32 to vector<512x1xi32>
    %eq3A_239 = arith.cmpi eq, %get3A_97, %eq3A_238 : vector<512x1xi32>
    %jit3A_240 = arith.constant 0xFF800000 : f32
    %broadcast_in_dim3A_241 = vector.shape_cast %eq3A_239 : vector<512x1xi1> to vector<512x1xi1>
    %broadcast_in_dim3A_242 = vector.broadcast %broadcast_in_dim3A_241 : vector<512x1xi1> to vector<512x128xi1>
    %broadcast_in_dim3A_243 = vector.broadcast %jit3A_240 : f32 to vector<512x128xf32>
    %select_n3A_244 = arith.select %broadcast_in_dim3A_242, %max3A_94, %broadcast_in_dim3A_243 : vector<512x128xi1>, vector<512x128xf32>
    %reduce_max3A_245 = arith.constant dense<0xFF800000> : vector<128xf32>
    %reduce_max3A_246 = vector.multi_reduction <maximumf>, %select_n3A_244, %reduce_max3A_245 [0] : vector<512x128xf32> to vector<128xf32>
    %broadcast_in_dim3A_247 = vector.shape_cast %reduce_max3A_246 : vector<128xf32> to vector<1x128xf32>
    %get3A_248 = arith.constant 8 : index
    %get3A_249 = arith.constant 0 : index
    %get3A_250 = vector.load %arg18[%get3A_248, %get3A_249] : memref<16x128xf32, #tpu.memory_space<vmem>>, vector<1x128xf32>
    %max3A_251 = arith.maximumf %get3A_250, %broadcast_in_dim3A_247 : vector<1x128xf32>
    %swap3A_252 = arith.constant 8 : index
    %swap3A_253 = arith.constant 0 : index
    %swap3A_254 = vector.load %arg18[%swap3A_252, %swap3A_253] : memref<16x128xf32, #tpu.memory_space<vmem>>, vector<1x128xf32>
    tpu.vector_store %arg18[%swap3A_252, %swap3A_253], %max3A_251 {strides = array<i32>} : memref<16x128xf32, #tpu.memory_space<vmem>>, vector<1x128xf32>,
    %eq3A_255 = arith.constant 9 : i32
    %eq3A_256 = vector.broadcast %eq3A_255 : i32 to vector<512x1xi32>
    %eq3A_257 = arith.cmpi eq, %get3A_97, %eq3A_256 : vector<512x1xi32>
    %jit3A_258 = arith.constant 0xFF800000 : f32
    %broadcast_in_dim3A_259 = vector.shape_cast %eq3A_257 : vector<512x1xi1> to vector<512x1xi1>
    %broadcast_in_dim3A_260 = vector.broadcast %broadcast_in_dim3A_259 : vector<512x1xi1> to vector<512x128xi1>
    %broadcast_in_dim3A_261 = vector.broadcast %jit3A_258 : f32 to vector<512x128xf32>
    %select_n3A_262 = arith.select %broadcast_in_dim3A_260, %max3A_94, %broadcast_in_dim3A_261 : vector<512x128xi1>, vector<512x128xf32>
    %reduce_max3A_263 = arith.constant dense<0xFF800000> : vector<128xf32>
    %reduce_max3A_264 = vector.multi_reduction <maximumf>, %select_n3A_262, %reduce_max3A_263 [0] : vector<512x128xf32> to vector<128xf32>
    %broadcast_in_dim3A_265 = vector.shape_cast %reduce_max3A_264 : vector<128xf32> to vector<1x128xf32>
    %get3A_266 = arith.constant 9 : index
    %get3A_267 = arith.constant 0 : index
    %get3A_268 = vector.load %arg18[%get3A_266, %get3A_267] : memref<16x128xf32, #tpu.memory_space<vmem>>, vector<1x128xf32>
    %max3A_269 = arith.maximumf %get3A_268, %broadcast_in_dim3A_265 : vector<1x128xf32>
    %swap3A_270 = arith.constant 9 : index
    %swap3A_271 = arith.constant 0 : index
    %swap3A_272 = vector.load %arg18[%swap3A_270, %swap3A_271] : memref<16x128xf32, #tpu.memory_space<vmem>>, vector<1x128xf32>
    tpu.vector_store %arg18[%swap3A_270, %swap3A_271], %max3A_269 {strides = array<i32>} : memref<16x128xf32, #tpu.memory_space<vmem>>, vector<1x128xf32>,
    %eq3A_273 = arith.constant 10 : i32
    %eq3A_274 = vector.broadcast %eq3A_273 : i32 to vector<512x1xi32>
    %eq3A_275 = arith.cmpi eq, %get3A_97, %eq3A_274 : vector<512x1xi32>
    %jit3A_276 = arith.constant 0xFF800000 : f32
    %broadcast_in_dim3A_277 = vector.shape_cast %eq3A_275 : vector<512x1xi1> to vector<512x1xi1>
    %broadcast_in_dim3A_278 = vector.broadcast %broadcast_in_dim3A_277 : vector<512x1xi1> to vector<512x128xi1>
    %broadcast_in_dim3A_279 = vector.broadcast %jit3A_276 : f32 to vector<512x128xf32>
    %select_n3A_280 = arith.select %broadcast_in_dim3A_278, %max3A_94, %broadcast_in_dim3A_279 : vector<512x128xi1>, vector<512x128xf32>
    %reduce_max3A_281 = arith.constant dense<0xFF800000> : vector<128xf32>
    %reduce_max3A_282 = vector.multi_reduction <maximumf>, %select_n3A_280, %reduce_max3A_281 [0] : vector<512x128xf32> to vector<128xf32>
    %broadcast_in_dim3A_283 = vector.shape_cast %reduce_max3A_282 : vector<128xf32> to vector<1x128xf32>
    %get3A_284 = arith.constant 10 : index
    %get3A_285 = arith.constant 0 : index
    %get3A_286 = vector.load %arg18[%get3A_284, %get3A_285] : memref<16x128xf32, #tpu.memory_space<vmem>>, vector<1x128xf32>
    %max3A_287 = arith.maximumf %get3A_286, %broadcast_in_dim3A_283 : vector<1x128xf32>
    %swap3A_288 = arith.constant 10 : index
    %swap3A_289 = arith.constant 0 : index
    %swap3A_290 = vector.load %arg18[%swap3A_288, %swap3A_289] : memref<16x128xf32, #tpu.memory_space<vmem>>, vector<1x128xf32>
    tpu.vector_store %arg18[%swap3A_288, %swap3A_289], %max3A_287 {strides = array<i32>} : memref<16x128xf32, #tpu.memory_space<vmem>>, vector<1x128xf32>,
    %eq3A_291 = arith.constant 11 : i32
    %eq3A_292 = vector.broadcast %eq3A_291 : i32 to vector<512x1xi32>
    %eq3A_293 = arith.cmpi eq, %get3A_97, %eq3A_292 : vector<512x1xi32>
    %jit3A_294 = arith.constant 0xFF800000 : f32
    %broadcast_in_dim3A_295 = vector.shape_cast %eq3A_293 : vector<512x1xi1> to vector<512x1xi1>
    %broadcast_in_dim3A_296 = vector.broadcast %broadcast_in_dim3A_295 : vector<512x1xi1> to vector<512x128xi1>
    %broadcast_in_dim3A_297 = vector.broadcast %jit3A_294 : f32 to vector<512x128xf32>
    %select_n3A_298 = arith.select %broadcast_in_dim3A_296, %max3A_94, %broadcast_in_dim3A_297 : vector<512x128xi1>, vector<512x128xf32>
    %reduce_max3A_299 = arith.constant dense<0xFF800000> : vector<128xf32>
    %reduce_max3A_300 = vector.multi_reduction <maximumf>, %select_n3A_298, %reduce_max3A_299 [0] : vector<512x128xf32> to vector<128xf32>
    %broadcast_in_dim3A_301 = vector.shape_cast %reduce_max3A_300 : vector<128xf32> to vector<1x128xf32>
    %get3A_302 = arith.constant 11 : index
    %get3A_303 = arith.constant 0 : index
    %get3A_304 = vector.load %arg18[%get3A_302, %get3A_303] : memref<16x128xf32, #tpu.memory_space<vmem>>, vector<1x128xf32>
    %max3A_305 = arith.maximumf %get3A_304, %broadcast_in_dim3A_301 : vector<1x128xf32>
    %swap3A_306 = arith.constant 11 : index
    %swap3A_307 = arith.constant 0 : index
    %swap3A_308 = vector.load %arg18[%swap3A_306, %swap3A_307] : memref<16x128xf32, #tpu.memory_space<vmem>>, vector<1x128xf32>
    tpu.vector_store %arg18[%swap3A_306, %swap3A_307], %max3A_305 {strides = array<i32>} : memref<16x128xf32, #tpu.memory_space<vmem>>, vector<1x128xf32>,
    %eq3A_309 = arith.constant 12 : i32
    %eq3A_310 = vector.broadcast %eq3A_309 : i32 to vector<512x1xi32>
    %eq3A_311 = arith.cmpi eq, %get3A_97, %eq3A_310 : vector<512x1xi32>
    %jit3A_312 = arith.constant 0xFF800000 : f32
    %broadcast_in_dim3A_313 = vector.shape_cast %eq3A_311 : vector<512x1xi1> to vector<512x1xi1>
    %broadcast_in_dim3A_314 = vector.broadcast %broadcast_in_dim3A_313 : vector<512x1xi1> to vector<512x128xi1>
    %broadcast_in_dim3A_315 = vector.broadcast %jit3A_312 : f32 to vector<512x128xf32>
    %select_n3A_316 = arith.select %broadcast_in_dim3A_314, %max3A_94, %broadcast_in_dim3A_315 : vector<512x128xi1>, vector<512x128xf32>
    %reduce_max3A_317 = arith.constant dense<0xFF800000> : vector<128xf32>
    %reduce_max3A_318 = vector.multi_reduction <maximumf>, %select_n3A_316, %reduce_max3A_317 [0] : vector<512x128xf32> to vector<128xf32>
    %broadcast_in_dim3A_319 = vector.shape_cast %reduce_max3A_318 : vector<128xf32> to vector<1x128xf32>
    %get3A_320 = arith.constant 12 : index
    %get3A_321 = arith.constant 0 : index
    %get3A_322 = vector.load %arg18[%get3A_320, %get3A_321] : memref<16x128xf32, #tpu.memory_space<vmem>>, vector<1x128xf32>
    %max3A_323 = arith.maximumf %get3A_322, %broadcast_in_dim3A_319 : vector<1x128xf32>
    %swap3A_324 = arith.constant 12 : index
    %swap3A_325 = arith.constant 0 : index
    %swap3A_326 = vector.load %arg18[%swap3A_324, %swap3A_325] : memref<16x128xf32, #tpu.memory_space<vmem>>, vector<1x128xf32>
    tpu.vector_store %arg18[%swap3A_324, %swap3A_325], %max3A_323 {strides = array<i32>} : memref<16x128xf32, #tpu.memory_space<vmem>>, vector<1x128xf32>,
    %eq3A_327 = arith.constant 13 : i32
    %eq3A_328 = vector.broadcast %eq3A_327 : i32 to vector<512x1xi32>
    %eq3A_329 = arith.cmpi eq, %get3A_97, %eq3A_328 : vector<512x1xi32>
    %jit3A_330 = arith.constant 0xFF800000 : f32
    %broadcast_in_dim3A_331 = vector.shape_cast %eq3A_329 : vector<512x1xi1> to vector<512x1xi1>
    %broadcast_in_dim3A_332 = vector.broadcast %broadcast_in_dim3A_331 : vector<512x1xi1> to vector<512x128xi1>
    %broadcast_in_dim3A_333 = vector.broadcast %jit3A_330 : f32 to vector<512x128xf32>
    %select_n3A_334 = arith.select %broadcast_in_dim3A_332, %max3A_94, %broadcast_in_dim3A_333 : vector<512x128xi1>, vector<512x128xf32>
    %reduce_max3A_335 = arith.constant dense<0xFF800000> : vector<128xf32>
    %reduce_max3A_336 = vector.multi_reduction <maximumf>, %select_n3A_334, %reduce_max3A_335 [0] : vector<512x128xf32> to vector<128xf32>
    %broadcast_in_dim3A_337 = vector.shape_cast %reduce_max3A_336 : vector<128xf32> to vector<1x128xf32>
    %get3A_338 = arith.constant 13 : index
    %get3A_339 = arith.constant 0 : index
    %get3A_340 = vector.load %arg18[%get3A_338, %get3A_339] : memref<16x128xf32, #tpu.memory_space<vmem>>, vector<1x128xf32>
    %max3A_341 = arith.maximumf %get3A_340, %broadcast_in_dim3A_337 : vector<1x128xf32>
    %swap3A_342 = arith.constant 13 : index
    %swap3A_343 = arith.constant 0 : index
    %swap3A_344 = vector.load %arg18[%swap3A_342, %swap3A_343] : memref<16x128xf32, #tpu.memory_space<vmem>>, vector<1x128xf32>
    tpu.vector_store %arg18[%swap3A_342, %swap3A_343], %max3A_341 {strides = array<i32>} : memref<16x128xf32, #tpu.memory_space<vmem>>, vector<1x128xf32>,
    %eq3A_345 = arith.constant 14 : i32
    %eq3A_346 = vector.broadcast %eq3A_345 : i32 to vector<512x1xi32>
    %eq3A_347 = arith.cmpi eq, %get3A_97, %eq3A_346 : vector<512x1xi32>
    %jit3A_348 = arith.constant 0xFF800000 : f32
    %broadcast_in_dim3A_349 = vector.shape_cast %eq3A_347 : vector<512x1xi1> to vector<512x1xi1>
    %broadcast_in_dim3A_350 = vector.broadcast %broadcast_in_dim3A_349 : vector<512x1xi1> to vector<512x128xi1>
    %broadcast_in_dim3A_351 = vector.broadcast %jit3A_348 : f32 to vector<512x128xf32>
    %select_n3A_352 = arith.select %broadcast_in_dim3A_350, %max3A_94, %broadcast_in_dim3A_351 : vector<512x128xi1>, vector<512x128xf32>
    %reduce_max3A_353 = arith.constant dense<0xFF800000> : vector<128xf32>
    %reduce_max3A_354 = vector.multi_reduction <maximumf>, %select_n3A_352, %reduce_max3A_353 [0] : vector<512x128xf32> to vector<128xf32>
    %broadcast_in_dim3A_355 = vector.shape_cast %reduce_max3A_354 : vector<128xf32> to vector<1x128xf32>
    %get3A_356 = arith.constant 14 : index
    %get3A_357 = arith.constant 0 : index
    %get3A_358 = vector.load %arg18[%get3A_356, %get3A_357] : memref<16x128xf32, #tpu.memory_space<vmem>>, vector<1x128xf32>
    %max3A_359 = arith.maximumf %get3A_358, %broadcast_in_dim3A_355 : vector<1x128xf32>
    %swap3A_360 = arith.constant 14 : index
    %swap3A_361 = arith.constant 0 : index
    %swap3A_362 = vector.load %arg18[%swap3A_360, %swap3A_361] : memref<16x128xf32, #tpu.memory_space<vmem>>, vector<1x128xf32>
    tpu.vector_store %arg18[%swap3A_360, %swap3A_361], %max3A_359 {strides = array<i32>} : memref<16x128xf32, #tpu.memory_space<vmem>>, vector<1x128xf32>,
    %eq3A_363 = arith.constant 15 : i32
    %eq3A_364 = vector.broadcast %eq3A_363 : i32 to vector<512x1xi32>
    %eq3A_365 = arith.cmpi eq, %get3A_97, %eq3A_364 : vector<512x1xi32>
    %jit3A_366 = arith.constant 0xFF800000 : f32
    %broadcast_in_dim3A_367 = vector.shape_cast %eq3A_365 : vector<512x1xi1> to vector<512x1xi1>
    %broadcast_in_dim3A_368 = vector.broadcast %broadcast_in_dim3A_367 : vector<512x1xi1> to vector<512x128xi1>
    %broadcast_in_dim3A_369 = vector.broadcast %jit3A_366 : f32 to vector<512x128xf32>
    %select_n3A_370 = arith.select %broadcast_in_dim3A_368, %max3A_94, %broadcast_in_dim3A_369 : vector<512x128xi1>, vector<512x128xf32>
    %reduce_max3A_371 = arith.constant dense<0xFF800000> : vector<128xf32>
    %reduce_max3A_372 = vector.multi_reduction <maximumf>, %select_n3A_370, %reduce_max3A_371 [0] : vector<512x128xf32> to vector<128xf32>
    %broadcast_in_dim3A_373 = vector.shape_cast %reduce_max3A_372 : vector<128xf32> to vector<1x128xf32>
    %get3A_374 = arith.constant 15 : index
    %get3A_375 = arith.constant 0 : index
    %get3A_376 = vector.load %arg18[%get3A_374, %get3A_375] : memref<16x128xf32, #tpu.memory_space<vmem>>, vector<1x128xf32>
    %max3A_377 = arith.maximumf %get3A_376, %broadcast_in_dim3A_373 : vector<1x128xf32>
    %swap3A_378 = arith.constant 15 : index
    %swap3A_379 = arith.constant 0 : index
    %swap3A_380 = vector.load %arg18[%swap3A_378, %swap3A_379] : memref<16x128xf32, #tpu.memory_space<vmem>>, vector<1x128xf32>
    tpu.vector_store %arg18[%swap3A_378, %swap3A_379], %max3A_377 {strides = array<i32>} : memref<16x128xf32, #tpu.memory_space<vmem>>, vector<1x128xf32>,
    %eq3A_381 = arith.constant 19 : i32
    %eq3A_382 = arith.cmpi eq, %arg0, %eq3A_381 : i32
    %convert_element_type3A_383 = arith.extui %eq3A_382 : i1 to i32
    %cond3A_384 = arith.constant 0 : i32
    %cond3A_385 = arith.cmpi ne, %convert_element_type3A_383, %cond3A_384 : i32
    scf.if %cond3A_385 {
      %get3A_386 = arith.constant 0 : index
      %get3A_387 = arith.constant 0 : index
      %get3A_388 = vector.load %arg18[%get3A_386, %get3A_387] : memref<16x128xf32, #tpu.memory_space<vmem>>, vector<16x128xf32>
      %get3A_389 = arith.constant 0 : index
      %get3A_390 = arith.constant 0 : index
      %get3A_391 = vector.load %arg13[%get3A_389, %get3A_390] : memref<128x128xf32, #tpu.memory_space<vmem>>, vector<128x128xf32>
      %dot_general3A_392 = arith.constant dense<0.000000e+00> : vector<16x128xf32>
      %dot_general3A_393 = tpu.matmul %get3A_388, %get3A_391, %dot_general3A_392 {dimension_numbers = #tpu.dot_dimension_numbers<[1], [0], [0], [1], [0, 0, 1, 1], [], []>, transpose_lhs_hint = false} : vector<16x128xf32>, vector<128x128xf32>, vector<16x128xf32> -> vector<16x128xf32>
      %get3A_394 = arith.constant 0 : index
      %get3A_395 = arith.constant 0 : index
      %get3A_396 = vector.load %arg14[%get3A_394, %get3A_395] : memref<1x128xf32, #tpu.memory_space<vmem>>, vector<1x128xf32>
      %add3A_397 = vector.broadcast %get3A_396 : vector<1x128xf32> to vector<16x128xf32>
      %add3A_398 = arith.addf %dot_general3A_393, %add3A_397 : vector<16x128xf32>
      %max3A_399 = arith.constant 0.000000e+00 : f32
      %max3A_400 = vector.broadcast %max3A_399 : f32 to vector<16x128xf32>
      %max3A_401 = arith.maximumf %add3A_398, %max3A_400 : vector<16x128xf32>
      %get3A_402 = arith.constant 0 : index
      %get3A_403 = arith.constant 0 : index
      %get3A_404 = vector.load %arg15[%get3A_402, %get3A_403] : memref<128x128xf32, #tpu.memory_space<vmem>>, vector<128x128xf32>
      %dot_general3A_405 = arith.constant dense<0.000000e+00> : vector<16x128xf32>
      %dot_general3A_406 = tpu.matmul %max3A_401, %get3A_404, %dot_general3A_405 {dimension_numbers = #tpu.dot_dimension_numbers<[1], [0], [0], [1], [0, 0, 1, 1], [], []>, transpose_lhs_hint = false} : vector<16x128xf32>, vector<128x128xf32>, vector<16x128xf32> -> vector<16x128xf32>
      %get3A_407 = arith.constant 0 : index
      %get3A_408 = arith.constant 0 : index
      %get3A_409 = vector.load %arg16[%get3A_407, %get3A_408] : memref<1x128xf32, #tpu.memory_space<vmem>>, vector<1x128xf32>
      %add3A_410 = vector.broadcast %get3A_409 : vector<1x128xf32> to vector<16x128xf32>
      %add3A_411 = arith.addf %dot_general3A_406, %add3A_410 : vector<16x128xf32>
      %mul3A_412 = arith.mulf %add3A_411, %add3A_411 : vector<16x128xf32>
      %reduce_sum3A = arith.constant dense<0.000000e+00> : vector<16xf32>
      %reduce_sum3A_413 = vector.multi_reduction <add>, %mul3A_412, %reduce_sum3A [1] : vector<16x128xf32> to vector<16xf32>
      %broadcast_in_dim3A_414 = vector.shape_cast %reduce_sum3A_413 : vector<16xf32> to vector<16x1xf32>
      %sqrt3A_415 = math.sqrt %broadcast_in_dim3A_414 : vector<16x1xf32>
      %max3A_416 = arith.constant 9.99999996E-13 : f32
      %max3A_417 = vector.broadcast %max3A_416 : f32 to vector<16x1xf32>
      %max3A_418 = arith.maximumf %sqrt3A_415, %max3A_417 : vector<16x1xf32>
      %div3A_419 = vector.broadcast %max3A_418 : vector<16x1xf32> to vector<16x128xf32>
      %div3A_420 = arith.divf %add3A_411, %div3A_419 : vector<16x128xf32>
      %swap3A_421 = arith.constant 0 : index
      %swap3A_422 = arith.constant 0 : index
      %swap3A_423 = vector.load %arg17[%swap3A_421, %swap3A_422] : memref<16x128xf32, #tpu.memory_space<vmem>>, vector<16x128xf32>
      tpu.vector_store %arg17[%swap3A_421, %swap3A_422], %div3A_420 {strides = array<i32>} : memref<16x128xf32, #tpu.memory_space<vmem>>, vector<16x128xf32>,
    } else {
    }
    return
  }
  func.func @transform_0(%arg0: i32) -> (i32, i32) {
    %c0_i32 = arith.constant 0 : i32
    %c0_i32_0 = arith.constant 0 : i32
    return %arg0, %c0_i32 : i32, i32
  }
  func.func @transform_1(%arg0: i32) -> (i32, i32) {
    %c0_i32 = arith.constant 0 : i32
    %c0_i32_0 = arith.constant 0 : i32
    return %arg0, %c0_i32 : i32, i32
  }
  func.func @transform_2(%arg0: i32) -> (i32, i32) {
    %add3A = arith.constant 20 : i32
    %add3A_0 = arith.addi %arg0, %add3A : i32
    %c0_i32 = arith.constant 0 : i32
    %c0_i32_1 = arith.constant 0 : i32
    return %add3A_0, %c0_i32 : i32, i32
  }
  func.func @transform_3(%arg0: i32) -> (i32, i32) {
    %c0_i32 = arith.constant 0 : i32
    %c0_i32_0 = arith.constant 0 : i32
    return %arg0, %c0_i32 : i32, i32
  }
  func.func @transform_4(%arg0: i32) -> (i32, i32) {
    %c0_i32 = arith.constant 0 : i32
    %c0_i32_0 = arith.constant 0 : i32
    %c0_i32_1 = arith.constant 0 : i32
    return %c0_i32, %c0_i32_0 : i32, i32
  }
  func.func @transform_5(%arg0: i32) -> (i32, i32) {
    %c0_i32 = arith.constant 0 : i32
    %c0_i32_0 = arith.constant 0 : i32
    %c0_i32_1 = arith.constant 0 : i32
    return %c0_i32, %c0_i32_0 : i32, i32
  }
  func.func @transform_6(%arg0: i32) -> (i32, i32) {
    %c0_i32 = arith.constant 0 : i32
    %c0_i32_0 = arith.constant 0 : i32
    %c0_i32_1 = arith.constant 0 : i32
    return %c0_i32, %c0_i32_0 : i32, i32
  }
  func.func @transform_7(%arg0: i32) -> (i32, i32) {
    %c0_i32 = arith.constant 0 : i32
    %c0_i32_0 = arith.constant 0 : i32
    %c0_i32_1 = arith.constant 0 : i32
    return %c0_i32, %c0_i32_0 : i32, i32
  }
  func.func @transform_8(%arg0: i32) -> (i32, i32) {
    %c0_i32 = arith.constant 0 : i32
    %c0_i32_0 = arith.constant 0 : i32
    %c0_i32_1 = arith.constant 0 : i32
    return %c0_i32, %c0_i32_0 : i32, i32
  }
  func.func @transform_9(%arg0: i32) -> (i32, i32) {
    %c0_i32 = arith.constant 0 : i32
    %c0_i32_0 = arith.constant 0 : i32
    %c0_i32_1 = arith.constant 0 : i32
    return %c0_i32, %c0_i32_0 : i32, i32
  }
  func.func @transform_10(%arg0: i32) -> (i32, i32) {
    %c0_i32 = arith.constant 0 : i32
    %c0_i32_0 = arith.constant 0 : i32
    %c0_i32_1 = arith.constant 0 : i32
    return %c0_i32, %c0_i32_0 : i32, i32
  }
  func.func @transform_11(%arg0: i32) -> (i32, i32) {
    %c0_i32 = arith.constant 0 : i32
    %c0_i32_0 = arith.constant 0 : i32
    %c0_i32_1 = arith.constant 0 : i32
    return %c0_i32, %c0_i32_0 : i32, i32
  }
  func.func @transform_12(%arg0: i32) -> (i32, i32) {
    %c0_i32 = arith.constant 0 : i32
    %c0_i32_0 = arith.constant 0 : i32
    %c0_i32_1 = arith.constant 0 : i32
    return %c0_i32, %c0_i32_0 : i32, i32
  }
  func.func @transform_13(%arg0: i32) -> (i32, i32) {
    %c0_i32 = arith.constant 0 : i32
    %c0_i32_0 = arith.constant 0 : i32
    %c0_i32_1 = arith.constant 0 : i32
    return %c0_i32, %c0_i32_0 : i32, i32
  }
  func.func @transform_14(%arg0: i32) -> (i32, i32) {
    %c0_i32 = arith.constant 0 : i32
    %c0_i32_0 = arith.constant 0 : i32
    %c0_i32_1 = arith.constant 0 : i32
    return %c0_i32, %c0_i32_0 : i32, i32
  }
  func.func @transform_15(%arg0: i32) -> (i32, i32) {
    %c0_i32 = arith.constant 0 : i32
    %c0_i32_0 = arith.constant 0 : i32
    %c0_i32_1 = arith.constant 0 : i32
    return %c0_i32, %c0_i32_0 : i32, i32
  }
  func.func @transform_16(%arg0: i32) -> (i32, i32) {
    %c0_i32 = arith.constant 0 : i32
    %c0_i32_0 = arith.constant 0 : i32
    %c0_i32_1 = arith.constant 0 : i32
    return %c0_i32, %c0_i32_0 : i32, i32
  }
}

</mosaic_0001>

<sc_bundles>
// kernel: kernel.6.cloned.1.call-start
scs
__scs_entry_jumppad:
0x0: {  	(pc) =	sbr.rel $0x88, $3  }
0x1: {  	(tag) =	ssettag $0x0;
	lr =	simm.s32 $0x1  }
0x2: {  	[smem:$0x3F86] =	sst lr;
	_ =	strace $0xD0000000  }
0x3: {  	_ = 	snop  }
0x4: {  	_ = 	snop  }
0x5: {  	_ = 	snop  }
0x6: {  	_ = 	snop  }
0x7: {  	_ = 	snop  }
__scs_overlays_trampoline_lowered:
0x8: {  	[smem:$0x3F95] =	sst s0  }
0x9: {  	[smem:$0x3F96] =	sst s1  }
0xa: {  	[smem:$0x3F97] =	sst s2  }
0xb: {  	[smem:$0x3F98] =	sst s3  }
0xc: {  	[smem:$0x3F99] =	sst s4  }
0xd: {  	[smem:$0x3F9A] =	sst s5  }
0xe: {  	[smem:$0x3F9B] =	sst s6  }
0xf: {  	[smem:$0x3F9C] =	sst s7  }
0x10: {  	[smem:$0x3F9D] =	sst s8  }
0x11: {  	[smem:$0x3F9E] =	sst s9;
	s0 =	simm.s32 @!p0 $0x0  }
0x12: {  	s1 =	sld [smem:$0x3F84];
	s0 =	simm.s32 @p0 $0x1  }
0x13: {  	[smem:$0x3F9F] =	sst s0;
	s0 =	simm.s32 @!p1 $0x0  }
0x14: {  	s2 =	sld [smem:$0x3F83];
	s0 =	simm.s32 @p1 $0x1  }
0x15: {  	[smem:$0x3FA0] =	sst s0;
	s0 =	simm.s32 @!p2 $0x0  }
0x16: {  	s3 =	sld [smem:$0x3FDB];
	s0 =	simm.s32 @p2 $0x1  }
0x17: {  	s4 =	simm.s32 $0x1BF5;
	[smem:$0x3FA2] =	sst s0  }
0x18: {  	s0 =	sld [smem:$0x3F85];
	_ =	swait.ge [sflag:s4], $0x0  }
0x19: {  	s7 =	sld [smem:$0x3F86]  }
0x1a: {  	s8 =	sadd.s32 $0xFFFFE003, lr  }
0x1b: {  	s9 =	sadd.s32 $0xFFFFFEF7, lr;
	s5 =	simm.s32 $0xFFFFFFFF;
	p2 =	slt.u32 s8, $0xFFFFF086  }
0x1c: {  	p1 =	slt.u32 s9, $0xF7A;
	s5 =	simm.s32 @!p2 $0x0  }
0x1d: {  	s5 =	simm.s32 @p1 $0x1;
	p0 =	seq.s32 s7, s2  }
0x1e: {  	s7 =	smul.u32 @!p0 $0xF7A, s2;
	p2 =	seq.s32 @!p0 s5, $0x0  }
0x1f: {  	s9 =	smul.u32 $0xF7A, s1;
	s8 =	simm.s32 @!p0 $0x1BF5;
	p2 =	por !p2, p0  }
0x20: {  	[sflag:s8] =	ssyncset.s32 @!p0 $0xFFFFF086;
	s6 =	sadd.s32 @!p0 s3, s7;
	s7 =	simm.s32 @!p0 $0x108  }
0x21: {  	s3 =	sadd.s32 s3, s9;
	s6 =	sadd.s32 @!p0 $0x88, s6;
	s7 =	simm.s32 @p2 $0x1082  }
0x22: {  	[simem:s7], [sflag:s8] =	dma.local @!p0 [hbm:s6], $0xF7A  }
0x23: {  	s9 =	sor.u32 $0xD0000000, s2;
	s6 =	simm.s32 $0x108;
	_ =	swait.ge @!p0 [sflag:s8], $0x0  }
0x24: {  	s3 =	sadd.s32 $0x88, s3;
	s6 =	simm.s32 @!p1 $0x1082;
	[sflag:s4] =	ssyncset.s32 $0xFFFFF086  }
0x25: {  	[simem:s6], [sflag:s4] =	dma.local [hbm:s3], $0xF7A  }
0x26: {  	[smem:$0x3F86] =	sst s1;
	(tag) =	ssettag s2;
	_ =	strace s9  }
0x27: {  	s1 =	sld [smem:$0x3F96]  }
0x28: {  	s2 =	sld [smem:$0x3F97]  }
0x29: {  	s4 =	sld [smem:$0x3F99]  }
0x2a: {  	p0 =	seq.s32 s5, $0x0;
	s5 =	sld [smem:$0x3F9A]  }
0x2b: {  	s6 =	sld [smem:$0x3F9B]  }
0x2c: {  	s7 =	sld [smem:$0x3F9C]  }
0x2d: {  	s3 =	simm.s32 $0x108;
	s8 =	sld [smem:$0x3F9D]  }
0x2e: {  	s3 =	simm.s32 @!p0 $0x1082;
	s9 =	sld [smem:$0x3F9E]  }
0x2f: {  	lr =	sadd.s32 s0, s3;
	s0 =	sld [smem:$0x3F95]  }
0x30: {  	s3 =	sld [smem:$0x3F98]  }
0x31: {  	[smem:$0x3FA1] =	sst s10  }
0x32: {  	s10 =	sld [smem:$0x3F9F];
	_ =	sdelay $0x3  }
0x33: {  	p0 =	seq.s32 s10, $0x1;
	s10 =	sld [smem:$0x3FA1];
	_ =	sdelay $0x3  }
0x34: {  	[smem:$0x3FA1] =	sst s10  }
0x35: {  	s10 =	sld [smem:$0x3FA0];
	_ =	sdelay $0x3  }
0x36: {  	p1 =	seq.s32 s10, $0x1;
	s10 =	sld [smem:$0x3FA1];
	_ =	sdelay $0x3  }
0x37: {  	[smem:$0x3FA1] =	sst s10  }
0x38: {  	s10 =	sld [smem:$0x3FA2]  }
0x39: {  	_ = 	snop;
	(pc) =	sbr.ind lr, $3  }
0x3a: {  	_ = 	snop  }
0x3b: {  	_ = 	snop  }
0x3c: {  	p2 =	seq.s32 s10, $0x1;
	s10 =	sld [smem:$0x3FA1]  }
0x3d: {  	_ =	shalt  }
0x3e: {  	_ =	shalt  }
0x3f: {  	_ =	shalt  }
0x40: {  	_ =	shalt  }
0x41: {  	_ =	shalt  }
0x42: {  	_ =	shalt  }
0x43: {  	_ =	shalt  }
0x44: {  	_ =	shalt  }
0x45: {  	_ =	shalt  }
0x46: {  	_ =	shalt  }
0x47: {  	_ =	shalt  }
0x48: {  	_ =	shalt  }
0x49: {  	_ =	shalt  }
0x4a: {  	_ =	shalt  }
0x4b: {  	_ =	shalt  }
0x4c: {  	_ =	shalt  }
0x4d: {  	_ =	shalt  }
0x4e: {  	_ =	shalt  }
0x4f: {  	_ =	shalt  }
0x50: {  	_ =	shalt  }
0x51: {  	_ =	shalt  }
0x52: {  	_ =	shalt  }
0x53: {  	_ =	shalt  }
0x54: {  	_ =	shalt  }
0x55: {  	_ =	shalt  }
0x56: {  	_ =	shalt  }
0x57: {  	_ =	shalt  }
0x58: {  	_ =	shalt  }
0x59: {  	_ =	shalt  }
0x5a: {  	_ =	shalt  }
0x5b: {  	_ =	shalt  }
0x5c: {  	_ =	shalt  }
0x5d: {  	_ =	shalt  }
0x5e: {  	_ =	shalt  }
0x5f: {  	_ =	shalt  }
0x60: {  	_ =	shalt  }
0x61: {  	_ =	shalt  }
0x62: {  	_ =	shalt  }
0x63: {  	_ =	shalt  }
0x64: {  	_ =	shalt  }
0x65: {  	_ =	shalt  }
0x66: {  	_ =	shalt  }
0x67: {  	_ =	shalt  }
0x68: {  	_ =	shalt  }
0x69: {  	_ =	shalt  }
0x6a: {  	_ =	shalt  }
0x6b: {  	_ =	shalt  }
0x6c: {  	_ =	shalt  }
0x6d: {  	_ =	shalt  }
0x6e: {  	_ =	shalt  }
0x6f: {  	_ =	shalt  }
0x70: {  	_ =	shalt  }
0x71: {  	_ =	shalt  }
0x72: {  	_ =	shalt  }
0x73: {  	_ =	shalt  }
0x74: {  	_ =	shalt  }
0x75: {  	_ =	shalt  }
0x76: {  	_ =	shalt  }
0x77: {  	_ =	shalt  }
0x78: {  	_ =	shalt  }
0x79: {  	_ =	shalt  }
0x7a: {  	_ =	shalt  }
0x7b: {  	_ =	shalt  }
0x7c: {  	_ =	shalt  }
0x7d: {  	_ =	shalt  }
0x7e: {  	_ =	shalt  }
0x7f: {  	_ =	shalt  }
0x80: {  	_ =	shalt  }
0x81: {  	_ =	shalt  }
0x82: {  	_ =	shalt  }
0x83: {  	_ =	shalt  }
0x84: {  	_ =	shalt  }
0x85: {  	_ =	shalt  }
0x86: {  	_ =	shalt  }
0x87: {  	_ =	shalt  }
.Lfunc_end0:
.L_simem_size_0:
called_computation_lowered:
.L_overlay_start_0:
0x88: {  	s2 =	sld [smem:$0x3FD9]  }
0x89: {  	s3 =	sld [smem:$0x3FFE];
	_ =	sdelay $0x1  }
0x8a: {  	s1 =	srdreg.scid  }
0x8b: {  	s0 =	sand.u32 $0x1, s1  }
0x8c: {  	s16 =	sshll.u32 s0, $0xA;
	s2 =	sadd.s32 s3, s2  }
0x8d: {  	s2 =	sadd.s32 s2, s16  }
0x8e: {  	[smem:$0x3FAD] =	sst s2  }
0x8f: {  	_ = 	snop  }
0x90: {  	(tm) =	ssettm $0x1  }
0x91: {  	s17 =	sld [smem:$0x3FFB];
	_ =	sdelay $0x3  }
0x92: {  	_ =	strace s17  }
0x93: {  	s2 =	sld [smem:$0x3FFC];
	_ =	sdelay $0x3  }
0x94: {  	_ =	strace s2  }
0x95: {  	s2 =	sld [smem:$0x3FFD];
	_ =	sdelay $0x3  }
0x96: {  	_ =	strace s2  }
0x97: {  	_ =	strace $0x8FFFFFFF  }
0x98: {  	s18 =	sld [smem:$0x3FDB];
	_ =	sdelay $0x1  }
0x99: {  	s19 =	simm.s32 $_scs_section_size  }
0x9a: {  	s4 =	simm.s32 $_size__tile_overlayer_lowered;
	s5 =	simm.s32 $_tile_overlayer_lowered  }
0x9b: {  	s22 =	simm.s32 $0x1BFF;
	s21 =	sshll.u32 s5, $0x1;
	s2 =	sadd.s32 s19, s18  }
0x9c: {  	s6 =	simm.s32 $0x0;
	s20 =	sshll.u32 s4, $0x1;
	s4 =	sadd.s32 s21, s2  }
0x9d: {  	[timem:s6], [sflag:s22] =	dma.local [hbm:s4], s20  }
0x9e: {  	_ =	swait.ge [sflag:s22], s20  }
0x9f: {  	s3 =	ssub.s32 $0x0, s20;
	[sflag:s22] =	ssyncset.done $0x0  }
0xa0: {  	[sflag:s22] =	ssyncadd.s32 s3;
	_ =	sdelay $0x1  }
0xa1: {  	s23 =	simm.s32 $0x1B8B  }
0xa2: {  	_ =	swait.ge [sflag:s23], $0x1  }
0xa3: {  	[sflag:s23] =	ssyncset.done $0x0  }
0xa4: {  	s25 =	simm.s32 $0x1B8E;
	s24 =	sld [smem:$0x3FFE];
	[sflag:s23] =	ssyncadd.s32 $0xFFFFFFFF  }
0xa5: {  	s26 =	simm.s32 $execute0_lowered;
	[smem:$0x3FD2] =	sst s25  }
0xa6: {  	s4 =	sshll.u32 s26, $0x1;
	_ =	strace $0x80000046;
	[dreg:$0x1] =	wrdreg $0xFFFFFFFF  }
0xa7: {  	s28 =	simm.s32 $_size_execute0_lowered;
	s2 =	sadd.s32 s2, s4;
	[dreg:$0x0] =	wrdreg $0x0  }
0xa8: {  	s4 =	sshll.u32 s28, $0x1;
	[dreg:$0x2] =	wrdreg s2  }
0xa9: {  	[dreg:$0x3] =	wrdreg s4  }
0xaa: {  	[dreg:$0x4] =	wrdreg $0xC0  }
0xab: {  	_ =	task [dreg:s6], $0x5FFFF  }
0xac: {  	[dreg:$0x1] =	wrdreg $0xFFFFFFFF  }
0xad: {  	[dreg:$0x0] =	wrdreg $0x60  }
0xae: {  	[dreg:$0x2] =	wrdreg s24  }
0xaf: {  	[dreg:$0x3] =	wrdreg $0x9  }
0xb0: {  	_ =	task.clear_ibuf [dreg:s6], $0x4FFFF;
	_ =	strace $0x90000046  }
0xb1: {  	s29 =	simm.s32 $0x9;
	_ =	strace $0x80000048  }
0xb2: {  	_ =	swait.ge [sflag:s29], $0x1  }
0xb3: {  	[sflag:s29] =	ssyncadd.s32 $0xFFFFFFFF  }
0xb4: {  	_ =	strace $0x90000048  }
0xb5: {  	_ =	sfence  }
0xb6: {  	s30 =	sld [smem:$0x0];
	_ =	sdelay $0x2  }
0xb7: {  	s31 =	sshll.u32 s1, $0xD;
	s1 =	sshrl.u32 s1, $0x2  }
0xb8: {  	s3 =	sand.u32 $0x4000, s31;
	s1 =	sadd.s32 s1, s30  }
0xb9: {  	s0 =	sor.u32 s3, s0;
	s1 =	sshll.u32 s1, $0x11  }
0xba: {  	s0 =	sor.u32 s1, s0  }
0xbb: {  	s0 =	sadd.s32 $0x8F2B, s0  }
0xbc: {  	[sflag:s0] =	ssyncadd.remote.s32 $0x1  }
0xbd: {  	_ =	sfence.sel $0xFFFF  }
0xbe: {  	[dreg:$0x0] =	wrdreg $0xFFFFFFFF;
	(pc) =	sbr.abs _section_cstart, $3  }
0xbf: {  	[dreg:$0x1] =	wrdreg $0xFFFFFFFF  }
0xc0: {  	_ =	task.clear_ibuf [dreg:s6], $0x2FFFF;
	_ =	strace $0x9FFFFFFF  }
0xc1: {  	(tm) =	ssettm $0x7FFFFFFF  }
tec
execute0_lowered:
.L_overlay_start_1:
0x0: {  	(tag) =	ssettag $0x1  }
0x1: {  	s1 =	srdreg.scid;
	s0 =	stileid.u32  }
0x2: {  	s6 =	sand.u32 $0x1, s1;
	s30 =	sshll.u32 s0, $0x1  }
0x3: {  	s8 =	rddreg [dreg:$0x0];
	s7 =	sor.u32 s6, s30  }
0x4: {  	s2 =	simm.s32 $0x0;
	s1 =	rddreg [dreg:$0x1];
	s3 =	smul.u32 $0x50, s7  }
0x5: {  	[smem:$0x7FF] =	sst s2;
	s5 =	sadd.s32 $0x2C800, s8  }
0x6: {  	_ =	strace $0x80000047;
	s10 =	ssub.s32 $0x2, s6;
	s3 =	sadd.s32 s3, s8  }
0x7: {  	s6 =	simm.s32 $0x280;
	s4 =	sadd.s32 $0x4800, s3;
	s3 =	simm.s32 $0x2  }
0x8: {  	[tilespmem:s2], [sflag:$0x2] =	stream.linear.gather [hbm4b:s4+s2], $0x280, $0x38;
	[tilespmem:$0x14280] =	vst v63  }
0x9: {  	s9 =	smul.u32 $0x2800, s7;
	s11 =	sshrl.u32 s10, $0x1;
	_ =	swait.ge [sflag:s3], $0x280  }
0xa: {  	s7 =	simm.s32 $0x1;
	s31 =	ssub.s32 s10, s11;
	[sflag:s3] =	ssyncset.done $0x0  }
0xb: {  	s8 =	sadd.s32 s9, s8;
	s9 =	smax.u32 s31, $0x1;
	[sflag:s3] =	ssyncadd.s32 $0xFFFFFD80  }
0xc: {  	[tilespmem:s6], [sflag:$0x1] =	stream.indirect.gather [hbm4b:s5+s6], $0x80, s2, s6, $0xb8;
	[tilespmem:$0x14280] =	vst v63  }
0xd: {  	p0 =	sne.s32 s9, $0x1;
	_ =	swait.ge [sflag:s7], $0x14000  }
.Ltmp0:
0xe: {  	[sflag:s7] =	ssyncset.done $0x0;
	(pc) =	sbr.rel @!p0 .LBB2_2-.Ltmp0, $4  }
0xf: {  	s8 =	sadd.s32 $0x7C800, s8;
	[sflag:s7] =	ssyncadd.s32 $0xFFFEC000  }
0x10: {  	[hbm4b:s8+s2] =	stream.linear.scatter [tilespmem:s6], [sflag:$0x2], $0x14000, $0x38;
	[tilespmem:$0x14280] =	vst v63  }
0x11: {  	_ =	swait.ge [sflag:s3], $0x14000  }
0x12: {  	s9 =	sadd.s32 $0xFFFFFFFF, s9;
	[sflag:s3] =	ssyncset.done $0x0  }
.LBB2_1:
0x13: {  	p0 =	sne.s32 s9, $0x1;
	s9 =	sadd.s32 $0xFFFFFFFF, s9;
	[sflag:s3] =	ssyncadd.s32 $0xFFFEC000  }
0x14: {  	[tilespmem:s2], [sflag:$0x2] =	stream.linear.gather [hbm4b:s4+s2], $0x280, $0x38;
	[tilespmem:$0x14280] =	vst v63  }
0x15: {  	_ =	swait.ge [sflag:s3], $0x280  }
0x16: {  	[sflag:s3] =	ssyncset.done $0x0  }
0x17: {  	[sflag:s3] =	ssyncadd.s32 $0xFFFFFD80  }
0x18: {  	[tilespmem:s6], [sflag:$0x1] =	stream.indirect.gather [hbm4b:s5+s6], $0x80, s2, s6, $0xb8;
	[tilespmem:$0x14280] =	vst v63  }
0x19: {  	_ =	swait.ge [sflag:s7], $0x14000  }
.Ltmp1:
0x1a: {  	[sflag:s7] =	ssyncset.done $0x0;
	(pc) =	sbr.rel @p0 .LBB2_1-.Ltmp1, $4  }
0x1b: {  	[sflag:s7] =	ssyncadd.s32 $0xFFFEC000  }
0x1c: {  	[hbm4b:s8+s2] =	stream.linear.scatter [tilespmem:s6], [sflag:$0x2], $0x14000, $0x38;
	[tilespmem:$0x14280] =	vst v63  }
0x1d: {  	_ =	swait.ge [sflag:s3], $0x14000  }
0x1e: {  	[sflag:s3] =	ssyncset.done $0x0  }
.LBB2_2:
0x1f: {  	[sflag:s3] =	ssyncadd.s32 $0xFFFEC000  }
0x20: {  	_ =	sfence.sel $0x180000  }
0x21: {  	[bflag:$0x0] =	sbarrier.arrive $0xFFFF  }
0x22: {  	p0 =	sne.s32 s0, $0x0;
	_ =	strace $0x90000047  }
0x23: {  	s0 =	sadd.s32 @!p0 $0x100000, s1;
	[bflag:$0x2] =	sbarrier.arrive $0xFFFF  }
0x24: {  	[sflag:s0] =	ssyncadd.tile.s32 @!p0 $0x1;
	_ =	shalt  }
.Lfunc_end2:
_tile_overlayer_lowered:
.L_overlay_start_2:
0x25: {  	(tag) =	ssettag $0x2  }
0x26: {  	s0 =	rddreg [dreg:$0x0];
	s2 =	stileid.u32  }
0x27: {  	s1 =	rddreg [dreg:$0x1];
	p0 =	sne.s32 s2, $0x0  }
0x28: {  	s3 =	rddreg [dreg:$0x2];
	[bflag:$0x3] =	sbarrier.arrive $0xFFFF;
	s2 =	simm.s32 @!p0 $0x1C02  }
0x29: {  	[timem:s3], [sflag:s2] =	dma.local @!p0 [hbm:s0], s1  }
0x2a: {  	s0 =	simm.s32 @!p0 $0x2  }
0x2b: {  	_ =	swait.ge @!p0 [sflag:s0], s1  }
0x2c: {  	s1 =	ssub.s32 @!p0 $0x0, s1;
	[sflag:s0] =	ssyncset.done @!p0 $0x0  }
0x2d: {  	[sflag:s0] =	ssyncadd.s32 @!p0 s1  }
0x2e: {  	[bflag:$0x3] =	sbarrier.arrive $0xFFFF  }
0x2f: {  	_ =	shalt  }

</sc_bundles>
